<compile_context>
chip_gen: v7x
topology: tpu7x:2x2x1
jax: 0.10.2.dev20260603
libtpu: 0.0.44.dev20260713+nightly
codegen_flags: <defaults>
</compile_context>

<pallas_src>
import functools

import jax
import jax.numpy as jnp
from jax import lax
from jax.experimental import pallas as pl
from jax.experimental.pallas import tpu as pltpu
from jax.experimental.pallas import tpu_sc as plsc

_N = 10000
_E = 320000
_D = 128
_NOUT = 32
_SLOPE = 0.2

_NC, _NS, _L = 2, 16, 16
_NW = _NC * _NS
_EPW = _E // _NW

_EPAD = 2560 * 128
_C2 = 1000
_NCH2 = _EPW // _C2

_SCAT = 80
_NSCAT = _EPW // _SCAT

_BR = 64

_SC_PARAMS = pltpu.CompilerParams(
    needs_layout_passes=False, use_tc_tiling_on_sc=False)

_MESH = plsc.VectorSubcoreMesh(
    core_axis_name="c", subcore_axis_name="s",
    num_cores=_NC, num_subcores=_NS)


def _proj_body(x_ref, w1_ref, w2_ref, b_ref, a_out, b_out):
    x = x_ref[...]
    a_out[...] = jnp.dot(x, w1_ref[...], preferred_element_type=jnp.float32,
                         precision=lax.Precision.HIGHEST) + b_ref[...]
    b_out[...] = jnp.dot(x, w2_ref[...], preferred_element_type=jnp.float32,
                         precision=lax.Precision.HIGHEST)


def _project(x, w1, w2, b):
    return pl.pallas_call(
        _proj_body,
        out_shape=(jax.ShapeDtypeStruct((_N, _NOUT), jnp.float32),
                   jax.ShapeDtypeStruct((_N, _NOUT), jnp.float32)),
    )(x, w1, w2, b)


@functools.partial(
    pl.kernel,
    out_type=jax.ShapeDtypeStruct((_EPAD, _NOUT), jnp.float32),
    mesh=_MESH,
    compiler_params=_SC_PARAMS,
    scratch_types=[
        pltpu.VMEM((_EPW,), jnp.int32),
        pltpu.VMEM((_EPW,), jnp.int32),
        pltpu.VMEM((2, _C2, _NOUT), jnp.float32),
        pltpu.SemaphoreType.DMA,
        pltpu.SemaphoreType.DMA,
        pltpu.SemaphoreType.DMA,
        pltpu.SemaphoreType.DMA,
        pltpu.SemaphoreType.DMA,
        pltpu.SemaphoreType.DMA,
    ],
)
def _gather_kernel(a_hbm, b_hbm, src_hbm, dst_hbm, z_hbm,
                   src_all, dst_all, zbuf,
                   sem_a0, sem_a1, sem_b0, sem_b1, sem_w0, sem_w1):
    wid = lax.axis_index("s") * _NC + lax.axis_index("c")
    base = wid * _EPW
    sem_a = (sem_a0, sem_a1)
    sem_b = (sem_b0, sem_b1)
    sem_w = (sem_w0, sem_w1)
    pltpu.sync_copy(src_hbm.at[pl.ds(base, _EPW)], src_all)
    pltpu.sync_copy(dst_hbm.at[pl.ds(base, _EPW)], dst_all)

    def fire_a(c, b):
        pltpu.async_copy(a_hbm.at[src_all.at[pl.ds(c * _C2, _C2)]],
                         zbuf.at[b], sem_a[b])

    def process(c, b):
        pltpu.make_async_copy(a_hbm.at[src_all.at[pl.ds(0, _C2)]],
                              zbuf.at[b], sem_a[b]).wait()
        pltpu.async_copy(b_hbm.at[dst_all.at[pl.ds(c * _C2, _C2)]],
                         zbuf.at[b], sem_b[b], add=True)

        @pl.when(c + 1 < _NCH2)
        def _():
            @pl.when(c >= 1)
            def _():
                pltpu.make_async_copy(
                    zbuf.at[1 - b], z_hbm.at[pl.ds(base, _C2)],
                    sem_w[1 - b]).wait()
            fire_a(c + 1, 1 - b)

        pltpu.make_async_copy(b_hbm.at[dst_all.at[pl.ds(0, _C2)]],
                              zbuf.at[b], sem_b[b]).wait()
        pltpu.async_copy(zbuf.at[b], z_hbm.at[pl.ds(base + c * _C2, _C2)],
                         sem_w[b])

    fire_a(0, 0)

    def outer(t, carry):
        process(2 * t, 0)
        process(2 * t + 1, 1)
        return carry

    lax.fori_loop(0, _NCH2 // 2, outer, 0)
    pltpu.make_async_copy(zbuf.at[0], z_hbm.at[pl.ds(base, _C2)],
                          sem_w[0]).wait()
    pltpu.make_async_copy(zbuf.at[1], z_hbm.at[pl.ds(base, _C2)],
                          sem_w[1]).wait()


def _ex_body(z_ref, aw_ref, ex_ref):
    z = z_ref[...]
    z = jnp.maximum(z, z * _SLOPE)
    aw = aw_ref[...].reshape(1, 1, _NOUT)
    ex_ref[...] = jnp.exp(jnp.sum(z * aw, axis=2))


def _ex_scores(z3, aw):
    rows = _EPAD // 128
    return pl.pallas_call(
        _ex_body,
        grid=(rows // _BR,),
        in_specs=[pl.BlockSpec((_BR, 128, _NOUT), lambda i: (i, 0, 0)),
                  pl.BlockSpec((1, _NOUT), lambda i: (0, 0))],
        out_specs=pl.BlockSpec((_BR, 128), lambda i: (i, 0)),
        out_shape=jax.ShapeDtypeStruct((rows, 128), jnp.float32),
    )(z3, aw)


@functools.partial(
    pl.kernel,
    out_type=jax.ShapeDtypeStruct((_NC, _N), jnp.float32),
    mesh=_MESH,
    compiler_params=_SC_PARAMS,
    scratch_types=[
        pltpu.VMEM((_NSCAT, _SCAT), jnp.int32),
        pltpu.VMEM((_EPW,), jnp.float32),
        pltpu.VMEM((_N,), jnp.float32),
        pltpu.VMEM_SHARED((_N,), jnp.float32),
        pltpu.SemaphoreType.DMA,
    ],
)
def _ssum_kernel(ex_hbm, src2d_hbm, ssum_hbm,
                 src_v, exv, zbuf, shacc, sem):
    cid = lax.axis_index("c")
    sid = lax.axis_index("s")
    wid = sid * _NC + cid
    base = wid * _EPW

    @pl.when(sid == 0)
    def _():
        def zg(i, _):
            zbuf[pl.ds(i * _L, _L)] = jnp.zeros((_L,), jnp.float32)
            return 0
        lax.fori_loop(0, _N // _L, zg, 0)
        pltpu.sync_copy(zbuf, shacc)

    pltpu.sync_copy(ex_hbm.at[pl.ds(base, _EPW)], exv)
    pltpu.sync_copy(src2d_hbm.at[pl.ds(wid * _NSCAT, _NSCAT)], src_v)
    plsc.subcore_barrier()

    def fire(j, _):
        pltpu.async_copy(exv.at[pl.ds(j * _SCAT, _SCAT)],
                         shacc.at[src_v.at[j]], sem, add=True)
        return 0

    lax.fori_loop(0, _NSCAT, fire, 0)

    def drain(j, _):
        pltpu.make_async_copy(exv.at[pl.ds(0, _SCAT)],
                              shacc.at[src_v.at[0]], sem).wait()
        return 0

    lax.fori_loop(0, _NSCAT, drain, 0)
    plsc.subcore_barrier()

    @pl.when(sid == 0)
    def _():
        pltpu.sync_copy(shacc, ssum_hbm.at[cid])


@functools.partial(
    pl.kernel,
    out_type=jax.ShapeDtypeStruct((_E,), jnp.float32),
    mesh=_MESH,
    compiler_params=_SC_PARAMS,
    scratch_types=[
        pltpu.VMEM((_EPW,), jnp.int32),
        pltpu.VMEM((_EPW,), jnp.float32),
        pltpu.VMEM((_EPW,), jnp.float32),
        pltpu.VMEM((_EPW,), jnp.float32),
        pltpu.VMEM((_EPW,), jnp.float32),
        pltpu.SemaphoreType.DMA,
        pltpu.SemaphoreType.DMA,
    ],
)
def _div_kernel(ex_hbm, src_hbm, s0_hbm, s1_hbm, out_hbm,
                src_v, exv, s0v, s1v, av, sem0, sem1):
    wid = lax.axis_index("s") * _NC + lax.axis_index("c")
    base = wid * _EPW
    pltpu.sync_copy(src_hbm.at[pl.ds(base, _EPW)], src_v)
    pltpu.sync_copy(ex_hbm.at[pl.ds(base, _EPW)], exv)
    c0 = pltpu.async_copy(s0_hbm.at[src_v], s0v, sem0)
    c1 = pltpu.async_copy(s1_hbm.at[src_v], s1v, sem1)
    c0.wait()
    c1.wait()

    def grp(g, _):
        sl = pl.ds(g * _L, _L)
        av[sl] = exv[sl] / (s0v[sl] + s1v[sl])
        return 0

    lax.fori_loop(0, _EPW // _L, grp, 0)
    pltpu.sync_copy(av, out_hbm.at[pl.ds(base, _EPW)])


def kernel(x, edge_index, W_w, W_b, a_w):
    src = edge_index[0]
    dst = edge_index[1]
    w1 = W_w[:, :_D].T
    w2 = W_w[:, _D:].T
    A, B = _project(x, w1, w2, W_b.reshape(1, _NOUT))
    z = _gather_kernel(A, B, src, dst)
    ex2d = _ex_scores(z.reshape(_EPAD // 128, 128, _NOUT),
                      a_w.reshape(1, _NOUT))
    ex = ex2d.reshape(_EPAD)
    src2d = src.reshape(_E // _SCAT, _SCAT)
    ssum2 = _ssum_kernel(ex, src2d)
    return _div_kernel(ex, src, ssum2[0], ssum2[1])

# --- scband reference (transcript-rebuilt; emitter-appended) ---
"""Pipeline reference for scband-gatv2-30940944401047 (READ-ONLY COPY).

The authoritative reference and input builder live on the scoring server;
editing this copy changes nothing except your own understanding.
"""

import jax, jax.numpy as jnp
import numpy as np

N = 10000
E = 320000
D = 128
NIN = 256
NOUT = 32
SLOPE = 0.2


def setup_inputs(seed: int = 0) -> dict:
    key = jax.random.key(seed)
    k1, k2, k3, k4, k5 = jax.random.split(key, 5)
    x = jax.random.normal(k1, (N, D), dtype=jnp.float32)
    edge_index = jax.random.randint(k2, (2, E), 0, N, dtype=jnp.int32)
    # learned parameters sized per init_kwargs (nin=256, nout=32)
    W_w = jax.random.normal(k3, (NOUT, NIN), dtype=jnp.float32) * (1.0 / np.sqrt(NIN))
    W_b = jax.random.normal(k4, (NOUT,), dtype=jnp.float32) * 0.01
    a_w = jax.random.normal(k5, (1, NOUT), dtype=jnp.float32) * (1.0 / np.sqrt(NOUT))
    return {"x": x, "edge_index": edge_index, "W_w": W_w, "W_b": W_b, "a_w": a_w}


def reference(x, edge_index, W_w, W_b, a_w):
    # Per-edge GATv2 scoring: for each edge (i, j), h = cat(h_i, h_j);
    # score = a(LeakyReLU(W h)). Then sparse softmax over dim=1 (per source row i,
    # normalizing over the nonzero entries of that row), matching
    # softmax(sparse_coo_tensor([iis, jjs], vvs), dim=1).
    src = edge_index[0]
    dst = edge_index[1]
    h = jnp.concatenate([jnp.take(x, src, axis=0), jnp.take(x, dst, axis=0)], axis=1)  # [E, 2D]
    hw = h @ W_w.T + W_b  # [E, NOUT]
    hw = jax.nn.leaky_relu(hw, negative_slope=SLOPE)
    score = (hw @ a_w.T).squeeze(-1)  # [E]
    # segment (row-wise) softmax over edges sharing the same row index i
    row = src
    smax = jax.ops.segment_max(score, row, num_segments=N)  # [N]
    smax = jnp.where(jnp.isfinite(smax), smax, 0.0)
    ex = jnp.exp(score - smax[row])
    ssum = jax.ops.segment_sum(ex, row, num_segments=N)  # [N]
    attn = ex / ssum[row]
    return attn

if __name__ == "__main__":
    import jax
    _d = setup_inputs()
    print(jax.jit(kernel)(*tuple(_d.values())))

</pallas_src>

<mosaic_0001>
#map = affine_map<(d0, d1) -> (0, 0)>
#map1 = affine_map<(d0, d1) -> (0)>
module attributes {stable_mosaic.version = 14 : i64} {
  func.func @_gather_kernel(%arg0: i32, %arg1: i32, %arg2: memref<10000x32xf32, #tpu.memory_space<hbm>>, %arg3: memref<10000x32xf32, #tpu.memory_space<hbm>>, %arg4: memref<320000xi32, #tpu.memory_space<hbm>>, %arg5: memref<320000xi32, #tpu.memory_space<hbm>>, %arg6: memref<327680x32xf32, #tpu.memory_space<hbm>>, %arg7: memref<10000xi32, #tpu.memory_space<vmem>>, %arg8: memref<10000xi32, #tpu.memory_space<vmem>>, %arg9: memref<2x1000x32xf32, #tpu.memory_space<vmem>>, %arg10: memref<!tpu.dma_semaphore, #tpu.memory_space<semaphore_mem>>, %arg11: memref<!tpu.dma_semaphore, #tpu.memory_space<semaphore_mem>>, %arg12: memref<!tpu.dma_semaphore, #tpu.memory_space<semaphore_mem>>, %arg13: memref<!tpu.dma_semaphore, #tpu.memory_space<semaphore_mem>>, %arg14: memref<!tpu.dma_semaphore, #tpu.memory_space<semaphore_mem>>, %arg15: memref<!tpu.dma_semaphore, #tpu.memory_space<semaphore_mem>>) attributes {dimension_semantics = [#tpu.dimension_semantics<core_parallel>, #tpu.dimension_semantics<subcore_parallel>], iteration_bounds = array<i64: 2, 16>, scalar_prefetch = 0 : i64, scratch_operands = 9 : i64, tpu.core_type = #tpu.core_type<sc_vector_subcore>, window_params = [{transform_indices = #map}, {transform_indices = #map}, {transform_indices = #map1}, {transform_indices = #map1}, {transform_indices = #map}]} {
    %mul3A = arith.constant 2 : i32
    %mul3A_0 = arith.muli %arg1, %mul3A : i32
    %add3A = arith.addi %mul3A_0, %arg0 : i32
    %mul3A_1 = arith.constant 10000 : i32
    %mul3A_2 = arith.muli %add3A, %mul3A_1 : i32
    "tpu.region"() ({
      %run_scoped3A = tpu.sem_alloc : memref<!tpu.dma_semaphore, #tpu.memory_space<semaphore_mem>>
      %dma_start3A_42 = tpu.memref_slice %arg4[%mul3A_2] : memref<320000xi32, #tpu.memory_space<hbm>> -> memref<10000xi32, #tpu.memory_space<hbm>>
      %dma_start3A_43 = tpu.memref_slice %arg4[%mul3A_2] : memref<320000xi32, #tpu.memory_space<hbm>> -> memref<10000xi32, #tpu.memory_space<hbm>>
      tpu.enqueue_dma source(%dma_start3A_43 : memref<10000xi32, #tpu.memory_space<hbm>>) target(%arg7 : memref<10000xi32, #tpu.memory_space<vmem>>) target_semaphore(%run_scoped3A : memref<!tpu.dma_semaphore, #tpu.memory_space<semaphore_mem>>)
      %dma_wait3A_44 = tpu.memref_slice %arg4[%mul3A_2] : memref<320000xi32, #tpu.memory_space<hbm>> -> memref<10000xi32, #tpu.memory_space<hbm>>
      %dma_wait3A_45 = tpu.memref_slice %arg4[%mul3A_2] : memref<320000xi32, #tpu.memory_space<hbm>> -> memref<10000xi32, #tpu.memory_space<hbm>>
      tpu.wait_dma2 semaphore(%run_scoped3A : memref<!tpu.dma_semaphore, #tpu.memory_space<semaphore_mem>>) src(%dma_wait3A_45 : memref<10000xi32, #tpu.memory_space<hbm>>) dst(%arg7 : memref<10000xi32, #tpu.memory_space<vmem>>)
      tpu.yield
    }) : () -> ()
    "tpu.region"() ({
      %run_scoped3A = tpu.sem_alloc : memref<!tpu.dma_semaphore, #tpu.memory_space<semaphore_mem>>
      %dma_start3A_42 = tpu.memref_slice %arg5[%mul3A_2] : memref<320000xi32, #tpu.memory_space<hbm>> -> memref<10000xi32, #tpu.memory_space<hbm>>
      %dma_start3A_43 = tpu.memref_slice %arg5[%mul3A_2] : memref<320000xi32, #tpu.memory_space<hbm>> -> memref<10000xi32, #tpu.memory_space<hbm>>
      tpu.enqueue_dma source(%dma_start3A_43 : memref<10000xi32, #tpu.memory_space<hbm>>) target(%arg8 : memref<10000xi32, #tpu.memory_space<vmem>>) target_semaphore(%run_scoped3A : memref<!tpu.dma_semaphore, #tpu.memory_space<semaphore_mem>>)
      %dma_wait3A_44 = tpu.memref_slice %arg5[%mul3A_2] : memref<320000xi32, #tpu.memory_space<hbm>> -> memref<10000xi32, #tpu.memory_space<hbm>>
      %dma_wait3A_45 = tpu.memref_slice %arg5[%mul3A_2] : memref<320000xi32, #tpu.memory_space<hbm>> -> memref<10000xi32, #tpu.memory_space<hbm>>
      tpu.wait_dma2 semaphore(%run_scoped3A : memref<!tpu.dma_semaphore, #tpu.memory_space<semaphore_mem>>) src(%dma_wait3A_45 : memref<10000xi32, #tpu.memory_space<hbm>>) dst(%arg8 : memref<10000xi32, #tpu.memory_space<vmem>>)
      tpu.yield
    }) : () -> ()
    %dma_start3A = arith.constant 0 : i32
    %dma_start3A_3 = arith.constant 0 : i32
    %dma_start3A_4 = arith.constant 0 : i32
    %dma_start3A_5 = tpu.memref_slice %arg9[%dma_start3A, %dma_start3A_3, %dma_start3A_4] : memref<2x1000x32xf32, #tpu.memory_space<vmem>> -> memref<1x1000x32xf32, #tpu.memory_space<vmem>>
    %dma_start3A_6 = tpu.memref_squeeze %dma_start3A_5 : memref<1x1000x32xf32, #tpu.memory_space<vmem>> -> memref<1000x32xf32, #tpu.memory_space<vmem>>
    %dma_start3A_7 = arith.constant 0 : i32
    %dma_start3A_8 = tpu.memref_slice %arg7[%dma_start3A_7] : memref<10000xi32, #tpu.memory_space<vmem>> -> memref<1000xi32, #tpu.memory_space<vmem>>
    %dma_start3A_9 = arith.constant 0 : i32
    %dma_start3A_10 = arith.constant 0 : i32
    %dma_start3A_11 = tpu.memref_slice %arg2[%dma_start3A_9, %dma_start3A_10] : memref<10000x32xf32, #tpu.memory_space<hbm>> -> memref<10000x32xf32, #tpu.memory_space<hbm>>
    tpu.enqueue_indirect_dma source(%dma_start3A_11 : memref<10000x32xf32, #tpu.memory_space<hbm>>) target(%dma_start3A_6 : memref<1000x32xf32, #tpu.memory_space<vmem>>) offsets(%dma_start3A_8 : memref<1000xi32, #tpu.memory_space<vmem>>) semaphore(%arg10 : memref<!tpu.dma_semaphore, #tpu.memory_space<semaphore_mem>>)
    %scan3A = arith.constant 0 : i32
    %scan3A_12 = arith.constant 0 : i32
    %scan3A_13 = arith.constant 5 : i32
    %scan3A_14 = arith.addi %scan3A_12, %scan3A_13 : i32
    %scan3A_15 = arith.constant 1 : i32
    scf.for %scan3A_42 = %scan3A_12 to %scan3A_14 step %scan3A_15  : i32 {
      %mul3A_43 = arith.constant 2 : i32
      %mul3A_44 = arith.muli %mul3A_43, %scan3A_42 : i32
      %dma_wait3A_45 = arith.constant 0 : i32
      %dma_wait3A_46 = arith.constant 0 : i32
      %dma_wait3A_47 = arith.constant 0 : i32
      %dma_wait3A_48 = tpu.memref_slice %arg9[%dma_wait3A_45, %dma_wait3A_46, %dma_wait3A_47] : memref<2x1000x32xf32, #tpu.memory_space<vmem>> -> memref<1x1000x32xf32, #tpu.memory_space<vmem>>
      %dma_wait3A_49 = tpu.memref_squeeze %dma_wait3A_48 : memref<1x1000x32xf32, #tpu.memory_space<vmem>> -> memref<1000x32xf32, #tpu.memory_space<vmem>>
      %dma_wait3A_50 = arith.constant 0 : i32
      %dma_wait3A_51 = tpu.memref_slice %arg7[%dma_wait3A_50] : memref<10000xi32, #tpu.memory_space<vmem>> -> memref<1000xi32, #tpu.memory_space<vmem>>
      %dma_wait3A_52 = arith.constant 0 : i32
      %dma_wait3A_53 = arith.constant 0 : i32
      %dma_wait3A_54 = tpu.memref_slice %arg2[%dma_wait3A_52, %dma_wait3A_53] : memref<10000x32xf32, #tpu.memory_space<hbm>> -> memref<10000x32xf32, #tpu.memory_space<hbm>>
      tpu.wait_indirect_dma semaphore(%arg10 : memref<!tpu.dma_semaphore, #tpu.memory_space<semaphore_mem>>) src(%dma_wait3A_54 : memref<10000x32xf32, #tpu.memory_space<hbm>>) dst(%dma_wait3A_49 : memref<1000x32xf32, #tpu.memory_space<vmem>>)
      %mul3A_55 = arith.constant 1000 : i32
      %mul3A_56 = arith.muli %mul3A_44, %mul3A_55 : i32
      %dma_start3A_57 = arith.constant 0 : i32
      %dma_start3A_58 = arith.constant 0 : i32
      %dma_start3A_59 = arith.constant 0 : i32
      %dma_start3A_60 = tpu.memref_slice %arg9[%dma_start3A_57, %dma_start3A_58, %dma_start3A_59] : memref<2x1000x32xf32, #tpu.memory_space<vmem>> -> memref<1x1000x32xf32, #tpu.memory_space<vmem>>
      %dma_start3A_61 = tpu.memref_squeeze %dma_start3A_60 : memref<1x1000x32xf32, #tpu.memory_space<vmem>> -> memref<1000x32xf32, #tpu.memory_space<vmem>>
      %dma_start3A_62 = tpu.memref_slice %arg8[%mul3A_56] : memref<10000xi32, #tpu.memory_space<vmem>> -> memref<1000xi32, #tpu.memory_space<vmem>>
      %dma_start3A_63 = arith.constant 0 : i32
      %dma_start3A_64 = arith.constant 0 : i32
      %dma_start3A_65 = tpu.memref_slice %arg3[%dma_start3A_63, %dma_start3A_64] : memref<10000x32xf32, #tpu.memory_space<hbm>> -> memref<10000x32xf32, #tpu.memory_space<hbm>>
      tpu.enqueue_indirect_dma source(%dma_start3A_65 : memref<10000x32xf32, #tpu.memory_space<hbm>>) target(%dma_start3A_61 : memref<1000x32xf32, #tpu.memory_space<vmem>>) offsets(%dma_start3A_62 : memref<1000xi32, #tpu.memory_space<vmem>>) semaphore(%arg12 : memref<!tpu.dma_semaphore, #tpu.memory_space<semaphore_mem>>) {add = true}
      %add3A_66 = arith.constant 1 : i32
      %add3A_67 = arith.addi %mul3A_44, %add3A_66 : i32
      %lt3A = arith.constant 10 : i32
      %lt3A_68 = arith.cmpi slt, %add3A_67, %lt3A : i32
      %convert_element_type3A = arith.extui %lt3A_68 : i1 to i32
      %cond3A = arith.constant 0 : i32
      %cond3A_69 = arith.cmpi ne, %convert_element_type3A, %cond3A : i32
      scf.if %cond3A_69 {
        %ge3A = arith.constant 1 : i32
        %ge3A_154 = arith.cmpi sge, %mul3A_44, %ge3A : i32
        %convert_element_type3A_155 = arith.extui %ge3A_154 : i1 to i32
        %cond3A_156 = arith.constant 0 : i32
        %cond3A_157 = arith.cmpi ne, %convert_element_type3A_155, %cond3A_156 : i32
        scf.if %cond3A_157 {
          %dma_wait3A_171 = arith.constant 1 : i32
          %dma_wait3A_172 = arith.constant 0 : i32
          %dma_wait3A_173 = arith.constant 0 : i32
          %dma_wait3A_174 = tpu.memref_slice %arg9[%dma_wait3A_171, %dma_wait3A_172, %dma_wait3A_173] : memref<2x1000x32xf32, #tpu.memory_space<vmem>> -> memref<1x1000x32xf32, #tpu.memory_space<vmem>>
          %dma_wait3A_175 = tpu.memref_squeeze %dma_wait3A_174 : memref<1x1000x32xf32, #tpu.memory_space<vmem>> -> memref<1000x32xf32, #tpu.memory_space<vmem>>
          %dma_wait3A_176 = arith.constant 0 : i32
          %dma_wait3A_177 = tpu.memref_slice %arg6[%mul3A_2, %dma_wait3A_176] : memref<327680x32xf32, #tpu.memory_space<hbm>> -> memref<1000x32xf32, #tpu.memory_space<hbm>>
          %dma_wait3A_178 = arith.constant 0 : i32
          %dma_wait3A_179 = tpu.memref_slice %arg6[%mul3A_2, %dma_wait3A_178] : memref<327680x32xf32, #tpu.memory_space<hbm>> -> memref<1000x32xf32, #tpu.memory_space<hbm>>
          %dma_wait3A_180 = arith.constant 0 : i32
          %dma_wait3A_181 = arith.constant 0 : i32
          %dma_wait3A_182 = tpu.memref_slice %arg9[%dma_wait3A_171, %dma_wait3A_180, %dma_wait3A_181] : memref<2x1000x32xf32, #tpu.memory_space<vmem>> -> memref<1x1000x32xf32, #tpu.memory_space<vmem>>
          %dma_wait3A_183 = tpu.memref_squeeze %dma_wait3A_182 : memref<1x1000x32xf32, #tpu.memory_space<vmem>> -> memref<1000x32xf32, #tpu.memory_space<vmem>>
          tpu.wait_dma2 semaphore(%arg15 : memref<!tpu.dma_semaphore, #tpu.memory_space<semaphore_mem>>) src(%dma_wait3A_183 : memref<1000x32xf32, #tpu.memory_space<vmem>>) dst(%dma_wait3A_179 : memref<1000x32xf32, #tpu.memory_space<hbm>>)
        } else {
        }
        %add3A_158 = arith.constant 1 : i32
        %add3A_159 = arith.addi %mul3A_44, %add3A_158 : i32
        %mul3A_160 = arith.constant 1000 : i32
        %mul3A_161 = arith.muli %add3A_159, %mul3A_160 : i32
        %dma_start3A_162 = arith.constant 1 : i32
        %dma_start3A_163 = arith.constant 0 : i32
        %dma_start3A_164 = arith.constant 0 : i32
        %dma_start3A_165 = tpu.memref_slice %arg9[%dma_start3A_162, %dma_start3A_163, %dma_start3A_164] : memref<2x1000x32xf32, #tpu.memory_space<vmem>> -> memref<1x1000x32xf32, #tpu.memory_space<vmem>>
        %dma_start3A_166 = tpu.memref_squeeze %dma_start3A_165 : memref<1x1000x32xf32, #tpu.memory_space<vmem>> -> memref<1000x32xf32, #tpu.memory_space<vmem>>
        %dma_start3A_167 = tpu.memref_slice %arg7[%mul3A_161] : memref<10000xi32, #tpu.memory_space<vmem>> -> memref<1000xi32, #tpu.memory_space<vmem>>
        %dma_start3A_168 = arith.constant 0 : i32
        %dma_start3A_169 = arith.constant 0 : i32
        %dma_start3A_170 = tpu.memref_slice %arg2[%dma_start3A_168, %dma_start3A_169] : memref<10000x32xf32, #tpu.memory_space<hbm>> -> memref<10000x32xf32, #tpu.memory_space<hbm>>
        tpu.enqueue_indirect_dma source(%dma_start3A_170 : memref<10000x32xf32, #tpu.memory_space<hbm>>) target(%dma_start3A_166 : memref<1000x32xf32, #tpu.memory_space<vmem>>) offsets(%dma_start3A_167 : memref<1000xi32, #tpu.memory_space<vmem>>) semaphore(%arg11 : memref<!tpu.dma_semaphore, #tpu.memory_space<semaphore_mem>>)
      } else {
      }
      %dma_wait3A_70 = arith.constant 0 : i32
      %dma_wait3A_71 = arith.constant 0 : i32
      %dma_wait3A_72 = arith.constant 0 : i32
      %dma_wait3A_73 = tpu.memref_slice %arg9[%dma_wait3A_70, %dma_wait3A_71, %dma_wait3A_72] : memref<2x1000x32xf32, #tpu.memory_space<vmem>> -> memref<1x1000x32xf32, #tpu.memory_space<vmem>>
      %dma_wait3A_74 = tpu.memref_squeeze %dma_wait3A_73 : memref<1x1000x32xf32, #tpu.memory_space<vmem>> -> memref<1000x32xf32, #tpu.memory_space<vmem>>
      %dma_wait3A_75 = arith.constant 0 : i32
      %dma_wait3A_76 = tpu.memref_slice %arg8[%dma_wait3A_75] : memref<10000xi32, #tpu.memory_space<vmem>> -> memref<1000xi32, #tpu.memory_space<vmem>>
      %dma_wait3A_77 = arith.constant 0 : i32
      %dma_wait3A_78 = arith.constant 0 : i32
      %dma_wait3A_79 = tpu.memref_slice %arg3[%dma_wait3A_77, %dma_wait3A_78] : memref<10000x32xf32, #tpu.memory_space<hbm>> -> memref<10000x32xf32, #tpu.memory_space<hbm>>
      tpu.wait_indirect_dma semaphore(%arg12 : memref<!tpu.dma_semaphore, #tpu.memory_space<semaphore_mem>>) src(%dma_wait3A_79 : memref<10000x32xf32, #tpu.memory_space<hbm>>) dst(%dma_wait3A_74 : memref<1000x32xf32, #tpu.memory_space<vmem>>)
      %mul3A_80 = arith.constant 1000 : i32
      %mul3A_81 = arith.muli %mul3A_44, %mul3A_80 : i32
      %add3A_82 = arith.addi %mul3A_2, %mul3A_81 : i32
      %dma_start3A_83 = arith.constant 0 : i32
      %dma_start3A_84 = arith.constant 0 : i32
      %dma_start3A_85 = arith.constant 0 : i32
      %dma_start3A_86 = tpu.memref_slice %arg9[%dma_start3A_83, %dma_start3A_84, %dma_start3A_85] : memref<2x1000x32xf32, #tpu.memory_space<vmem>> -> memref<1x1000x32xf32, #tpu.memory_space<vmem>>
      %dma_start3A_87 = tpu.memref_squeeze %dma_start3A_86 : memref<1x1000x32xf32, #tpu.memory_space<vmem>> -> memref<1000x32xf32, #tpu.memory_space<vmem>>
      %dma_start3A_88 = arith.constant 0 : i32
      %dma_start3A_89 = tpu.memref_slice %arg6[%add3A_82, %dma_start3A_88] : memref<327680x32xf32, #tpu.memory_space<hbm>> -> memref<1000x32xf32, #tpu.memory_space<hbm>>
      %dma_start3A_90 = arith.constant 0 : i32
      %dma_start3A_91 = tpu.memref_slice %arg6[%add3A_82, %dma_start3A_90] : memref<327680x32xf32, #tpu.memory_space<hbm>> -> memref<1000x32xf32, #tpu.memory_space<hbm>>
      %dma_start3A_92 = arith.constant 0 : i32
      %dma_start3A_93 = arith.constant 0 : i32
      %dma_start3A_94 = tpu.memref_slice %arg9[%dma_start3A_83, %dma_start3A_92, %dma_start3A_93] : memref<2x1000x32xf32, #tpu.memory_space<vmem>> -> memref<1x1000x32xf32, #tpu.memory_space<vmem>>
      %dma_start3A_95 = tpu.memref_squeeze %dma_start3A_94 : memref<1x1000x32xf32, #tpu.memory_space<vmem>> -> memref<1000x32xf32, #tpu.memory_space<vmem>>
      tpu.enqueue_dma source(%dma_start3A_95 : memref<1000x32xf32, #tpu.memory_space<vmem>>) target(%dma_start3A_91 : memref<1000x32xf32, #tpu.memory_space<hbm>>) target_semaphore(%arg14 : memref<!tpu.dma_semaphore, #tpu.memory_space<semaphore_mem>>)
      %mul3A_96 = arith.constant 2 : i32
      %mul3A_97 = arith.muli %mul3A_96, %scan3A_42 : i32
      %add3A_98 = arith.constant 1 : i32
      %add3A_99 = arith.addi %mul3A_97, %add3A_98 : i32
      %dma_wait3A_100 = arith.constant 1 : i32
      %dma_wait3A_101 = arith.constant 0 : i32
      %dma_wait3A_102 = arith.constant 0 : i32
      %dma_wait3A_103 = tpu.memref_slice %arg9[%dma_wait3A_100, %dma_wait3A_101, %dma_wait3A_102] : memref<2x1000x32xf32, #tpu.memory_space<vmem>> -> memref<1x1000x32xf32, #tpu.memory_space<vmem>>
      %dma_wait3A_104 = tpu.memref_squeeze %dma_wait3A_103 : memref<1x1000x32xf32, #tpu.memory_space<vmem>> -> memref<1000x32xf32, #tpu.memory_space<vmem>>
      %dma_wait3A_105 = arith.constant 0 : i32
      %dma_wait3A_106 = tpu.memref_slice %arg7[%dma_wait3A_105] : memref<10000xi32, #tpu.memory_space<vmem>> -> memref<1000xi32, #tpu.memory_space<vmem>>
      %dma_wait3A_107 = arith.constant 0 : i32
      %dma_wait3A_108 = arith.constant 0 : i32
      %dma_wait3A_109 = tpu.memref_slice %arg2[%dma_wait3A_107, %dma_wait3A_108] : memref<10000x32xf32, #tpu.memory_space<hbm>> -> memref<10000x32xf32, #tpu.memory_space<hbm>>
      tpu.wait_indirect_dma semaphore(%arg11 : memref<!tpu.dma_semaphore, #tpu.memory_space<semaphore_mem>>) src(%dma_wait3A_109 : memref<10000x32xf32, #tpu.memory_space<hbm>>) dst(%dma_wait3A_104 : memref<1000x32xf32, #tpu.memory_space<vmem>>)
      %mul3A_110 = arith.constant 1000 : i32
      %mul3A_111 = arith.muli %add3A_99, %mul3A_110 : i32
      %dma_start3A_112 = arith.constant 1 : i32
      %dma_start3A_113 = arith.constant 0 : i32
      %dma_start3A_114 = arith.constant 0 : i32
      %dma_start3A_115 = tpu.memref_slice %arg9[%dma_start3A_112, %dma_start3A_113, %dma_start3A_114] : memref<2x1000x32xf32, #tpu.memory_space<vmem>> -> memref<1x1000x32xf32, #tpu.memory_space<vmem>>
      %dma_start3A_116 = tpu.memref_squeeze %dma_start3A_115 : memref<1x1000x32xf32, #tpu.memory_space<vmem>> -> memref<1000x32xf32, #tpu.memory_space<vmem>>
      %dma_start3A_117 = tpu.memref_slice %arg8[%mul3A_111] : memref<10000xi32, #tpu.memory_space<vmem>> -> memref<1000xi32, #tpu.memory_space<vmem>>
      %dma_start3A_118 = arith.constant 0 : i32
      %dma_start3A_119 = arith.constant 0 : i32
      %dma_start3A_120 = tpu.memref_slice %arg3[%dma_start3A_118, %dma_start3A_119] : memref<10000x32xf32, #tpu.memory_space<hbm>> -> memref<10000x32xf32, #tpu.memory_space<hbm>>
      tpu.enqueue_indirect_dma source(%dma_start3A_120 : memref<10000x32xf32, #tpu.memory_space<hbm>>) target(%dma_start3A_116 : memref<1000x32xf32, #tpu.memory_space<vmem>>) offsets(%dma_start3A_117 : memref<1000xi32, #tpu.memory_space<vmem>>) semaphore(%arg13 : memref<!tpu.dma_semaphore, #tpu.memory_space<semaphore_mem>>) {add = true}
      %add3A_121 = arith.constant 1 : i32
      %add3A_122 = arith.addi %add3A_99, %add3A_121 : i32
      %lt3A_123 = arith.constant 10 : i32
      %lt3A_124 = arith.cmpi slt, %add3A_122, %lt3A_123 : i32
      %convert_element_type3A_125 = arith.extui %lt3A_124 : i1 to i32
      %cond3A_126 = arith.constant 0 : i32
      %cond3A_127 = arith.cmpi ne, %convert_element_type3A_125, %cond3A_126 : i32
      scf.if %cond3A_127 {
        %ge3A = arith.constant 1 : i32
        %ge3A_154 = arith.cmpi sge, %add3A_99, %ge3A : i32
        %convert_element_type3A_155 = arith.extui %ge3A_154 : i1 to i32
        %cond3A_156 = arith.constant 0 : i32
        %cond3A_157 = arith.cmpi ne, %convert_element_type3A_155, %cond3A_156 : i32
        scf.if %cond3A_157 {
          %dma_wait3A_171 = arith.constant 0 : i32
          %dma_wait3A_172 = arith.constant 0 : i32
          %dma_wait3A_173 = arith.constant 0 : i32
          %dma_wait3A_174 = tpu.memref_slice %arg9[%dma_wait3A_171, %dma_wait3A_172, %dma_wait3A_173] : memref<2x1000x32xf32, #tpu.memory_space<vmem>> -> memref<1x1000x32xf32, #tpu.memory_space<vmem>>
          %dma_wait3A_175 = tpu.memref_squeeze %dma_wait3A_174 : memref<1x1000x32xf32, #tpu.memory_space<vmem>> -> memref<1000x32xf32, #tpu.memory_space<vmem>>
          %dma_wait3A_176 = arith.constant 0 : i32
          %dma_wait3A_177 = tpu.memref_slice %arg6[%mul3A_2, %dma_wait3A_176] : memref<327680x32xf32, #tpu.memory_space<hbm>> -> memref<1000x32xf32, #tpu.memory_space<hbm>>
          %dma_wait3A_178 = arith.constant 0 : i32
          %dma_wait3A_179 = tpu.memref_slice %arg6[%mul3A_2, %dma_wait3A_178] : memref<327680x32xf32, #tpu.memory_space<hbm>> -> memref<1000x32xf32, #tpu.memory_space<hbm>>
          %dma_wait3A_180 = arith.constant 0 : i32
          %dma_wait3A_181 = arith.constant 0 : i32
          %dma_wait3A_182 = tpu.memref_slice %arg9[%dma_wait3A_171, %dma_wait3A_180, %dma_wait3A_181] : memref<2x1000x32xf32, #tpu.memory_space<vmem>> -> memref<1x1000x32xf32, #tpu.memory_space<vmem>>
          %dma_wait3A_183 = tpu.memref_squeeze %dma_wait3A_182 : memref<1x1000x32xf32, #tpu.memory_space<vmem>> -> memref<1000x32xf32, #tpu.memory_space<vmem>>
          tpu.wait_dma2 semaphore(%arg14 : memref<!tpu.dma_semaphore, #tpu.memory_space<semaphore_mem>>) src(%dma_wait3A_183 : memref<1000x32xf32, #tpu.memory_space<vmem>>) dst(%dma_wait3A_179 : memref<1000x32xf32, #tpu.memory_space<hbm>>)
        } else {
        }
        %add3A_158 = arith.constant 1 : i32
        %add3A_159 = arith.addi %add3A_99, %add3A_158 : i32
        %mul3A_160 = arith.constant 1000 : i32
        %mul3A_161 = arith.muli %add3A_159, %mul3A_160 : i32
        %dma_start3A_162 = arith.constant 0 : i32
        %dma_start3A_163 = arith.constant 0 : i32
        %dma_start3A_164 = arith.constant 0 : i32
        %dma_start3A_165 = tpu.memref_slice %arg9[%dma_start3A_162, %dma_start3A_163, %dma_start3A_164] : memref<2x1000x32xf32, #tpu.memory_space<vmem>> -> memref<1x1000x32xf32, #tpu.memory_space<vmem>>
        %dma_start3A_166 = tpu.memref_squeeze %dma_start3A_165 : memref<1x1000x32xf32, #tpu.memory_space<vmem>> -> memref<1000x32xf32, #tpu.memory_space<vmem>>
        %dma_start3A_167 = tpu.memref_slice %arg7[%mul3A_161] : memref<10000xi32, #tpu.memory_space<vmem>> -> memref<1000xi32, #tpu.memory_space<vmem>>
        %dma_start3A_168 = arith.constant 0 : i32
        %dma_start3A_169 = arith.constant 0 : i32
        %dma_start3A_170 = tpu.memref_slice %arg2[%dma_start3A_168, %dma_start3A_169] : memref<10000x32xf32, #tpu.memory_space<hbm>> -> memref<10000x32xf32, #tpu.memory_space<hbm>>
        tpu.enqueue_indirect_dma source(%dma_start3A_170 : memref<10000x32xf32, #tpu.memory_space<hbm>>) target(%dma_start3A_166 : memref<1000x32xf32, #tpu.memory_space<vmem>>) offsets(%dma_start3A_167 : memref<1000xi32, #tpu.memory_space<vmem>>) semaphore(%arg10 : memref<!tpu.dma_semaphore, #tpu.memory_space<semaphore_mem>>)
      } else {
      }
      %dma_wait3A_128 = arith.constant 1 : i32
      %dma_wait3A_129 = arith.constant 0 : i32
      %dma_wait3A_130 = arith.constant 0 : i32
      %dma_wait3A_131 = tpu.memref_slice %arg9[%dma_wait3A_128, %dma_wait3A_129, %dma_wait3A_130] : memref<2x1000x32xf32, #tpu.memory_space<vmem>> -> memref<1x1000x32xf32, #tpu.memory_space<vmem>>
      %dma_wait3A_132 = tpu.memref_squeeze %dma_wait3A_131 : memref<1x1000x32xf32, #tpu.memory_space<vmem>> -> memref<1000x32xf32, #tpu.memory_space<vmem>>
      %dma_wait3A_133 = arith.constant 0 : i32
      %dma_wait3A_134 = tpu.memref_slice %arg8[%dma_wait3A_133] : memref<10000xi32, #tpu.memory_space<vmem>> -> memref<1000xi32, #tpu.memory_space<vmem>>
      %dma_wait3A_135 = arith.constant 0 : i32
      %dma_wait3A_136 = arith.constant 0 : i32
      %dma_wait3A_137 = tpu.memref_slice %arg3[%dma_wait3A_135, %dma_wait3A_136] : memref<10000x32xf32, #tpu.memory_space<hbm>> -> memref<10000x32xf32, #tpu.memory_space<hbm>>
      tpu.wait_indirect_dma semaphore(%arg13 : memref<!tpu.dma_semaphore, #tpu.memory_space<semaphore_mem>>) src(%dma_wait3A_137 : memref<10000x32xf32, #tpu.memory_space<hbm>>) dst(%dma_wait3A_132 : memref<1000x32xf32, #tpu.memory_space<vmem>>)
      %mul3A_138 = arith.constant 1000 : i32
      %mul3A_139 = arith.muli %add3A_99, %mul3A_138 : i32
      %add3A_140 = arith.addi %mul3A_2, %mul3A_139 : i32
      %dma_start3A_141 = arith.constant 1 : i32
      %dma_start3A_142 = arith.constant 0 : i32
      %dma_start3A_143 = arith.constant 0 : i32
      %dma_start3A_144 = tpu.memref_slice %arg9[%dma_start3A_141, %dma_start3A_142, %dma_start3A_143] : memref<2x1000x32xf32, #tpu.memory_space<vmem>> -> memref<1x1000x32xf32, #tpu.memory_space<vmem>>
      %dma_start3A_145 = tpu.memref_squeeze %dma_start3A_144 : memref<1x1000x32xf32, #tpu.memory_space<vmem>> -> memref<1000x32xf32, #tpu.memory_space<vmem>>
      %dma_start3A_146 = arith.constant 0 : i32
      %dma_start3A_147 = tpu.memref_slice %arg6[%add3A_140, %dma_start3A_146] : memref<327680x32xf32, #tpu.memory_space<hbm>> -> memref<1000x32xf32, #tpu.memory_space<hbm>>
      %dma_start3A_148 = arith.constant 0 : i32
      %dma_start3A_149 = tpu.memref_slice %arg6[%add3A_140, %dma_start3A_148] : memref<327680x32xf32, #tpu.memory_space<hbm>> -> memref<1000x32xf32, #tpu.memory_space<hbm>>
      %dma_start3A_150 = arith.constant 0 : i32
      %dma_start3A_151 = arith.constant 0 : i32
      %dma_start3A_152 = tpu.memref_slice %arg9[%dma_start3A_141, %dma_start3A_150, %dma_start3A_151] : memref<2x1000x32xf32, #tpu.memory_space<vmem>> -> memref<1x1000x32xf32, #tpu.memory_space<vmem>>
      %dma_start3A_153 = tpu.memref_squeeze %dma_start3A_152 : memref<1x1000x32xf32, #tpu.memory_space<vmem>> -> memref<1000x32xf32, #tpu.memory_space<vmem>>
      tpu.enqueue_dma source(%dma_start3A_153 : memref<1000x32xf32, #tpu.memory_space<vmem>>) target(%dma_start3A_149 : memref<1000x32xf32, #tpu.memory_space<hbm>>) target_semaphore(%arg15 : memref<!tpu.dma_semaphore, #tpu.memory_space<semaphore_mem>>)
    }
    %scan3A_16 = arith.constant 5 : i32
    %dma_wait3A = arith.constant 0 : i32
    %dma_wait3A_17 = arith.constant 0 : i32
    %dma_wait3A_18 = arith.constant 0 : i32
    %dma_wait3A_19 = tpu.memref_slice %arg9[%dma_wait3A, %dma_wait3A_17, %dma_wait3A_18] : memref<2x1000x32xf32, #tpu.memory_space<vmem>> -> memref<1x1000x32xf32, #tpu.memory_space<vmem>>
    %dma_wait3A_20 = tpu.memref_squeeze %dma_wait3A_19 : memref<1x1000x32xf32, #tpu.memory_space<vmem>> -> memref<1000x32xf32, #tpu.memory_space<vmem>>
    %dma_wait3A_21 = arith.constant 0 : i32
    %dma_wait3A_22 = tpu.memref_slice %arg6[%mul3A_2, %dma_wait3A_21] : memref<327680x32xf32, #tpu.memory_space<hbm>> -> memref<1000x32xf32, #tpu.memory_space<hbm>>
    %dma_wait3A_23 = arith.constant 0 : i32
    %dma_wait3A_24 = tpu.memref_slice %arg6[%mul3A_2, %dma_wait3A_23] : memref<327680x32xf32, #tpu.memory_space<hbm>> -> memref<1000x32xf32, #tpu.memory_space<hbm>>
    %dma_wait3A_25 = arith.constant 0 : i32
    %dma_wait3A_26 = arith.constant 0 : i32
    %dma_wait3A_27 = tpu.memref_slice %arg9[%dma_wait3A, %dma_wait3A_25, %dma_wait3A_26] : memref<2x1000x32xf32, #tpu.memory_space<vmem>> -> memref<1x1000x32xf32, #tpu.memory_space<vmem>>
    %dma_wait3A_28 = tpu.memref_squeeze %dma_wait3A_27 : memref<1x1000x32xf32, #tpu.memory_space<vmem>> -> memref<1000x32xf32, #tpu.memory_space<vmem>>
    tpu.wait_dma2 semaphore(%arg14 : memref<!tpu.dma_semaphore, #tpu.memory_space<semaphore_mem>>) src(%dma_wait3A_28 : memref<1000x32xf32, #tpu.memory_space<vmem>>) dst(%dma_wait3A_24 : memref<1000x32xf32, #tpu.memory_space<hbm>>)
    %dma_wait3A_29 = arith.constant 1 : i32
    %dma_wait3A_30 = arith.constant 0 : i32
    %dma_wait3A_31 = arith.constant 0 : i32
    %dma_wait3A_32 = tpu.memref_slice %arg9[%dma_wait3A_29, %dma_wait3A_30, %dma_wait3A_31] : memref<2x1000x32xf32, #tpu.memory_space<vmem>> -> memref<1x1000x32xf32, #tpu.memory_space<vmem>>
    %dma_wait3A_33 = tpu.memref_squeeze %dma_wait3A_32 : memref<1x1000x32xf32, #tpu.memory_space<vmem>> -> memref<1000x32xf32, #tpu.memory_space<vmem>>
    %dma_wait3A_34 = arith.constant 0 : i32
    %dma_wait3A_35 = tpu.memref_slice %arg6[%mul3A_2, %dma_wait3A_34] : memref<327680x32xf32, #tpu.memory_space<hbm>> -> memref<1000x32xf32, #tpu.memory_space<hbm>>
    %dma_wait3A_36 = arith.constant 0 : i32
    %dma_wait3A_37 = tpu.memref_slice %arg6[%mul3A_2, %dma_wait3A_36] : memref<327680x32xf32, #tpu.memory_space<hbm>> -> memref<1000x32xf32, #tpu.memory_space<hbm>>
    %dma_wait3A_38 = arith.constant 0 : i32
    %dma_wait3A_39 = arith.constant 0 : i32
    %dma_wait3A_40 = tpu.memref_slice %arg9[%dma_wait3A_29, %dma_wait3A_38, %dma_wait3A_39] : memref<2x1000x32xf32, #tpu.memory_space<vmem>> -> memref<1x1000x32xf32, #tpu.memory_space<vmem>>
    %dma_wait3A_41 = tpu.memref_squeeze %dma_wait3A_40 : memref<1x1000x32xf32, #tpu.memory_space<vmem>> -> memref<1000x32xf32, #tpu.memory_space<vmem>>
    tpu.wait_dma2 semaphore(%arg15 : memref<!tpu.dma_semaphore, #tpu.memory_space<semaphore_mem>>) src(%dma_wait3A_41 : memref<1000x32xf32, #tpu.memory_space<vmem>>) dst(%dma_wait3A_37 : memref<1000x32xf32, #tpu.memory_space<hbm>>)
    return
  }
}

#map = affine_map<(d0, d1) -> (0)>
module attributes {stable_mosaic.version = 14 : i64} {
  func.func @_div_kernel(%arg0: i32, %arg1: i32, %arg2: memref<327680xf32, #tpu.memory_space<hbm>>, %arg3: memref<320000xi32, #tpu.memory_space<hbm>>, %arg4: memref<10000xf32, #tpu.memory_space<hbm>>, %arg5: memref<10000xf32, #tpu.memory_space<hbm>>, %arg6: memref<320000xf32, #tpu.memory_space<hbm>>, %arg7: memref<10000xi32, #tpu.memory_space<vmem>>, %arg8: memref<10000xf32, #tpu.memory_space<vmem>>, %arg9: memref<10000xf32, #tpu.memory_space<vmem>>, %arg10: memref<10000xf32, #tpu.memory_space<vmem>>, %arg11: memref<10000xf32, #tpu.memory_space<vmem>>, %arg12: memref<!tpu.dma_semaphore, #tpu.memory_space<semaphore_mem>>, %arg13: memref<!tpu.dma_semaphore, #tpu.memory_space<semaphore_mem>>) attributes {dimension_semantics = [#tpu.dimension_semantics<core_parallel>, #tpu.dimension_semantics<subcore_parallel>], iteration_bounds = array<i64: 2, 16>, scalar_prefetch = 0 : i64, scratch_operands = 7 : i64, tpu.core_type = #tpu.core_type<sc_vector_subcore>, window_params = [{transform_indices = #map}, {transform_indices = #map}, {transform_indices = #map}, {transform_indices = #map}, {transform_indices = #map}]} {
    %mul3A = arith.constant 2 : i32
    %mul3A_0 = arith.muli %arg1, %mul3A : i32
    %add3A = arith.addi %mul3A_0, %arg0 : i32
    %mul3A_1 = arith.constant 10000 : i32
    %mul3A_2 = arith.muli %add3A, %mul3A_1 : i32
    "tpu.region"() ({
      %run_scoped3A = tpu.sem_alloc : memref<!tpu.dma_semaphore, #tpu.memory_space<semaphore_mem>>
      %dma_start3A_15 = tpu.memref_slice %arg3[%mul3A_2] : memref<320000xi32, #tpu.memory_space<hbm>> -> memref<10000xi32, #tpu.memory_space<hbm>>
      %dma_start3A_16 = tpu.memref_slice %arg3[%mul3A_2] : memref<320000xi32, #tpu.memory_space<hbm>> -> memref<10000xi32, #tpu.memory_space<hbm>>
      tpu.enqueue_dma source(%dma_start3A_16 : memref<10000xi32, #tpu.memory_space<hbm>>) target(%arg7 : memref<10000xi32, #tpu.memory_space<vmem>>) target_semaphore(%run_scoped3A : memref<!tpu.dma_semaphore, #tpu.memory_space<semaphore_mem>>)
      %dma_wait3A_17 = tpu.memref_slice %arg3[%mul3A_2] : memref<320000xi32, #tpu.memory_space<hbm>> -> memref<10000xi32, #tpu.memory_space<hbm>>
      %dma_wait3A_18 = tpu.memref_slice %arg3[%mul3A_2] : memref<320000xi32, #tpu.memory_space<hbm>> -> memref<10000xi32, #tpu.memory_space<hbm>>
      tpu.wait_dma2 semaphore(%run_scoped3A : memref<!tpu.dma_semaphore, #tpu.memory_space<semaphore_mem>>) src(%dma_wait3A_18 : memref<10000xi32, #tpu.memory_space<hbm>>) dst(%arg7 : memref<10000xi32, #tpu.memory_space<vmem>>)
      tpu.yield
    }) : () -> ()
    "tpu.region"() ({
      %run_scoped3A = tpu.sem_alloc : memref<!tpu.dma_semaphore, #tpu.memory_space<semaphore_mem>>
      %dma_start3A_15 = tpu.memref_slice %arg2[%mul3A_2] : memref<327680xf32, #tpu.memory_space<hbm>> -> memref<10000xf32, #tpu.memory_space<hbm>>
      %dma_start3A_16 = tpu.memref_slice %arg2[%mul3A_2] : memref<327680xf32, #tpu.memory_space<hbm>> -> memref<10000xf32, #tpu.memory_space<hbm>>
      tpu.enqueue_dma source(%dma_start3A_16 : memref<10000xf32, #tpu.memory_space<hbm>>) target(%arg8 : memref<10000xf32, #tpu.memory_space<vmem>>) target_semaphore(%run_scoped3A : memref<!tpu.dma_semaphore, #tpu.memory_space<semaphore_mem>>)
      %dma_wait3A_17 = tpu.memref_slice %arg2[%mul3A_2] : memref<327680xf32, #tpu.memory_space<hbm>> -> memref<10000xf32, #tpu.memory_space<hbm>>
      %dma_wait3A_18 = tpu.memref_slice %arg2[%mul3A_2] : memref<327680xf32, #tpu.memory_space<hbm>> -> memref<10000xf32, #tpu.memory_space<hbm>>
      tpu.wait_dma2 semaphore(%run_scoped3A : memref<!tpu.dma_semaphore, #tpu.memory_space<semaphore_mem>>) src(%dma_wait3A_18 : memref<10000xf32, #tpu.memory_space<hbm>>) dst(%arg8 : memref<10000xf32, #tpu.memory_space<vmem>>)
      tpu.yield
    }) : () -> ()
    %dma_start3A = arith.constant 0 : i32
    %dma_start3A_3 = tpu.memref_slice %arg4[%dma_start3A] : memref<10000xf32, #tpu.memory_space<hbm>> -> memref<10000xf32, #tpu.memory_space<hbm>>
    tpu.enqueue_indirect_dma source(%dma_start3A_3 : memref<10000xf32, #tpu.memory_space<hbm>>) target(%arg9 : memref<10000xf32, #tpu.memory_space<vmem>>) offsets(%arg7 : memref<10000xi32, #tpu.memory_space<vmem>>) semaphore(%arg12 : memref<!tpu.dma_semaphore, #tpu.memory_space<semaphore_mem>>)
    %dma_start3A_4 = arith.constant 0 : i32
    %dma_start3A_5 = tpu.memref_slice %arg5[%dma_start3A_4] : memref<10000xf32, #tpu.memory_space<hbm>> -> memref<10000xf32, #tpu.memory_space<hbm>>
    tpu.enqueue_indirect_dma source(%dma_start3A_5 : memref<10000xf32, #tpu.memory_space<hbm>>) target(%arg10 : memref<10000xf32, #tpu.memory_space<vmem>>) offsets(%arg7 : memref<10000xi32, #tpu.memory_space<vmem>>) semaphore(%arg13 : memref<!tpu.dma_semaphore, #tpu.memory_space<semaphore_mem>>)
    %dma_wait3A = arith.constant 0 : i32
    %dma_wait3A_6 = tpu.memref_slice %arg4[%dma_wait3A] : memref<10000xf32, #tpu.memory_space<hbm>> -> memref<10000xf32, #tpu.memory_space<hbm>>
    tpu.wait_indirect_dma semaphore(%arg12 : memref<!tpu.dma_semaphore, #tpu.memory_space<semaphore_mem>>) src(%dma_wait3A_6 : memref<10000xf32, #tpu.memory_space<hbm>>) dst(%arg9 : memref<10000xf32, #tpu.memory_space<vmem>>)
    %dma_wait3A_7 = arith.constant 0 : i32
    %dma_wait3A_8 = tpu.memref_slice %arg5[%dma_wait3A_7] : memref<10000xf32, #tpu.memory_space<hbm>> -> memref<10000xf32, #tpu.memory_space<hbm>>
    tpu.wait_indirect_dma semaphore(%arg13 : memref<!tpu.dma_semaphore, #tpu.memory_space<semaphore_mem>>) src(%dma_wait3A_8 : memref<10000xf32, #tpu.memory_space<hbm>>) dst(%arg10 : memref<10000xf32, #tpu.memory_space<vmem>>)
    %scan3A = arith.constant 0 : i32
    %scan3A_9 = arith.constant 0 : i32
    %scan3A_10 = arith.constant 625 : i32
    %scan3A_11 = arith.addi %scan3A_9, %scan3A_10 : i32
    %scan3A_12 = arith.constant 1 : i32
    %scan3A_13 = scf.for %scan3A_15 = %scan3A_9 to %scan3A_11 step %scan3A_12 iter_args(%scan3A_16 = %scan3A) -> (i32)  : i32 {
      %mul3A_17 = arith.constant 16 : i32
      %mul3A_18 = arith.muli %scan3A_15, %mul3A_17 : i32
      %get3A = arith.index_cast %mul3A_18 : i32 to index
      %get3A_19 = tpu.vector_load %arg8[%get3A] {strides = array<i32>} : memref<10000xf32, #tpu.memory_space<vmem>>, vector<16xf32>,
      %get3A_20 = arith.index_cast %mul3A_18 : i32 to index
      %get3A_21 = tpu.vector_load %arg9[%get3A_20] {strides = array<i32>} : memref<10000xf32, #tpu.memory_space<vmem>>, vector<16xf32>,
      %get3A_22 = arith.index_cast %mul3A_18 : i32 to index
      %get3A_23 = tpu.vector_load %arg10[%get3A_22] {strides = array<i32>} : memref<10000xf32, #tpu.memory_space<vmem>>, vector<16xf32>,
      %add3A_24 = arith.addf %get3A_21, %get3A_23 : vector<16xf32>
      %div3A = arith.divf %get3A_19, %add3A_24 : vector<16xf32>
      %swap3A = arith.index_cast %mul3A_18 : i32 to index
      %swap3A_25 = tpu.vector_load %arg11[%swap3A] {strides = array<i32>} : memref<10000xf32, #tpu.memory_space<vmem>>, vector<16xf32>,
      tpu.vector_store %arg11[%swap3A], %div3A {strides = array<i32>} : memref<10000xf32, #tpu.memory_space<vmem>>, vector<16xf32>,
      %scan3A_26 = arith.constant 0 : i32
      scf.yield %scan3A_26 : i32
    }
    %scan3A_14 = arith.constant 625 : i32
    "tpu.region"() ({
      %run_scoped3A = tpu.sem_alloc : memref<!tpu.dma_semaphore, #tpu.memory_space<semaphore_mem>>
      %dma_start3A_15 = tpu.memref_slice %arg6[%mul3A_2] : memref<320000xf32, #tpu.memory_space<hbm>> -> memref<10000xf32, #tpu.memory_space<hbm>>
      %dma_start3A_16 = tpu.memref_slice %arg6[%mul3A_2] : memref<320000xf32, #tpu.memory_space<hbm>> -> memref<10000xf32, #tpu.memory_space<hbm>>
      tpu.enqueue_dma source(%arg11 : memref<10000xf32, #tpu.memory_space<vmem>>) target(%dma_start3A_16 : memref<10000xf32, #tpu.memory_space<hbm>>) target_semaphore(%run_scoped3A : memref<!tpu.dma_semaphore, #tpu.memory_space<semaphore_mem>>)
      %dma_wait3A_17 = tpu.memref_slice %arg6[%mul3A_2] : memref<320000xf32, #tpu.memory_space<hbm>> -> memref<10000xf32, #tpu.memory_space<hbm>>
      %dma_wait3A_18 = tpu.memref_slice %arg6[%mul3A_2] : memref<320000xf32, #tpu.memory_space<hbm>> -> memref<10000xf32, #tpu.memory_space<hbm>>
      tpu.wait_dma2 semaphore(%run_scoped3A : memref<!tpu.dma_semaphore, #tpu.memory_space<semaphore_mem>>) src(%arg11 : memref<10000xf32, #tpu.memory_space<vmem>>) dst(%dma_wait3A_18 : memref<10000xf32, #tpu.memory_space<hbm>>)
      tpu.yield
    }) : () -> ()
    return
  }
}

#map = affine_map<(d0, d1) -> (0)>
#map1 = affine_map<(d0, d1) -> (0, 0)>
module attributes {stable_mosaic.version = 14 : i64} {
  func.func @_ssum_kernel(%arg0: i32, %arg1: i32, %arg2: memref<327680xf32, #tpu.memory_space<hbm>>, %arg3: memref<4000x80xi32, #tpu.memory_space<hbm>>, %arg4: memref<2x10000xf32, #tpu.memory_space<hbm>>, %arg5: memref<125x80xi32, #tpu.memory_space<vmem>>, %arg6: memref<10000xf32, #tpu.memory_space<vmem>>, %arg7: memref<10000xf32, #tpu.memory_space<vmem>>, %arg8: memref<10000xf32, #tpu.memory_space<vmem_shared>>, %arg9: memref<!tpu.dma_semaphore, #tpu.memory_space<semaphore_mem>>) attributes {dimension_semantics = [#tpu.dimension_semantics<core_parallel>, #tpu.dimension_semantics<subcore_parallel>], iteration_bounds = array<i64: 2, 16>, scalar_prefetch = 0 : i64, scratch_operands = 5 : i64, tpu.core_type = #tpu.core_type<sc_vector_subcore>, window_params = [{transform_indices = #map}, {transform_indices = #map1}, {transform_indices = #map1}]} {
    %mul3A = arith.constant 2 : i32
    %mul3A_0 = arith.muli %arg1, %mul3A : i32
    %add3A = arith.addi %mul3A_0, %arg0 : i32
    %mul3A_1 = arith.constant 10000 : i32
    %mul3A_2 = arith.muli %add3A, %mul3A_1 : i32
    %eq3A = arith.constant 0 : i32
    %eq3A_3 = arith.cmpi eq, %arg1, %eq3A : i32
    %convert_element_type3A = arith.extui %eq3A_3 : i1 to i32
    %cond3A = arith.constant 0 : i32
    %cond3A_4 = arith.cmpi ne, %convert_element_type3A, %cond3A : i32
    scf.if %cond3A_4 {
      %scan3A_26 = arith.constant 0 : i32
      %scan3A_27 = arith.constant 0 : i32
      %scan3A_28 = arith.constant 625 : i32
      %scan3A_29 = arith.addi %scan3A_27, %scan3A_28 : i32
      %scan3A_30 = arith.constant 1 : i32
      %scan3A_31 = scf.for %scan3A_33 = %scan3A_27 to %scan3A_29 step %scan3A_30 iter_args(%scan3A_34 = %scan3A_26) -> (i32)  : i32 {
        %broadcast_in_dim3A = arith.constant 0.000000e+00 : f32
        %broadcast_in_dim3A_35 = vector.broadcast %broadcast_in_dim3A : f32 to vector<16xf32>
        %mul3A_36 = arith.constant 16 : i32
        %mul3A_37 = arith.muli %scan3A_33, %mul3A_36 : i32
        %swap3A = arith.index_cast %mul3A_37 : i32 to index
        %swap3A_38 = tpu.vector_load %arg7[%swap3A] {strides = array<i32>} : memref<10000xf32, #tpu.memory_space<vmem>>, vector<16xf32>,
        tpu.vector_store %arg7[%swap3A], %broadcast_in_dim3A_35 {strides = array<i32>} : memref<10000xf32, #tpu.memory_space<vmem>>, vector<16xf32>,
        %scan3A_39 = arith.constant 0 : i32
        scf.yield %scan3A_39 : i32
      }
      %scan3A_32 = arith.constant 625 : i32
      "tpu.region"() ({
        %run_scoped3A = tpu.sem_alloc : memref<!tpu.dma_semaphore, #tpu.memory_space<semaphore_mem>>
        tpu.enqueue_dma source(%arg7 : memref<10000xf32, #tpu.memory_space<vmem>>) target(%arg8 : memref<10000xf32, #tpu.memory_space<vmem_shared>>) target_semaphore(%run_scoped3A : memref<!tpu.dma_semaphore, #tpu.memory_space<semaphore_mem>>)
        tpu.wait_dma2 semaphore(%run_scoped3A : memref<!tpu.dma_semaphore, #tpu.memory_space<semaphore_mem>>) src(%arg7 : memref<10000xf32, #tpu.memory_space<vmem>>) dst(%arg8 : memref<10000xf32, #tpu.memory_space<vmem_shared>>)
        tpu.yield
      }) : () -> ()
    } else {
    }
    "tpu.region"() ({
      %run_scoped3A = tpu.sem_alloc : memref<!tpu.dma_semaphore, #tpu.memory_space<semaphore_mem>>
      %dma_start3A = tpu.memref_slice %arg2[%mul3A_2] : memref<327680xf32, #tpu.memory_space<hbm>> -> memref<10000xf32, #tpu.memory_space<hbm>>
      %dma_start3A_26 = tpu.memref_slice %arg2[%mul3A_2] : memref<327680xf32, #tpu.memory_space<hbm>> -> memref<10000xf32, #tpu.memory_space<hbm>>
      tpu.enqueue_dma source(%dma_start3A_26 : memref<10000xf32, #tpu.memory_space<hbm>>) target(%arg6 : memref<10000xf32, #tpu.memory_space<vmem>>) target_semaphore(%run_scoped3A : memref<!tpu.dma_semaphore, #tpu.memory_space<semaphore_mem>>)
      %dma_wait3A = tpu.memref_slice %arg2[%mul3A_2] : memref<327680xf32, #tpu.memory_space<hbm>> -> memref<10000xf32, #tpu.memory_space<hbm>>
      %dma_wait3A_27 = tpu.memref_slice %arg2[%mul3A_2] : memref<327680xf32, #tpu.memory_space<hbm>> -> memref<10000xf32, #tpu.memory_space<hbm>>
      tpu.wait_dma2 semaphore(%run_scoped3A : memref<!tpu.dma_semaphore, #tpu.memory_space<semaphore_mem>>) src(%dma_wait3A_27 : memref<10000xf32, #tpu.memory_space<hbm>>) dst(%arg6 : memref<10000xf32, #tpu.memory_space<vmem>>)
      tpu.yield
    }) : () -> ()
    %mul3A_5 = arith.constant 125 : i32
    %mul3A_6 = arith.muli %add3A, %mul3A_5 : i32
    "tpu.region"() ({
      %run_scoped3A = tpu.sem_alloc : memref<!tpu.dma_semaphore, #tpu.memory_space<semaphore_mem>>
      %dma_start3A = arith.constant 0 : i32
      %dma_start3A_26 = tpu.memref_slice %arg3[%mul3A_6, %dma_start3A] : memref<4000x80xi32, #tpu.memory_space<hbm>> -> memref<125x80xi32, #tpu.memory_space<hbm>>
      %dma_start3A_27 = arith.constant 0 : i32
      %dma_start3A_28 = tpu.memref_slice %arg3[%mul3A_6, %dma_start3A_27] : memref<4000x80xi32, #tpu.memory_space<hbm>> -> memref<125x80xi32, #tpu.memory_space<hbm>>
      tpu.enqueue_dma source(%dma_start3A_28 : memref<125x80xi32, #tpu.memory_space<hbm>>) target(%arg5 : memref<125x80xi32, #tpu.memory_space<vmem>>) target_semaphore(%run_scoped3A : memref<!tpu.dma_semaphore, #tpu.memory_space<semaphore_mem>>)
      %dma_wait3A = arith.constant 0 : i32
      %dma_wait3A_29 = tpu.memref_slice %arg3[%mul3A_6, %dma_wait3A] : memref<4000x80xi32, #tpu.memory_space<hbm>> -> memref<125x80xi32, #tpu.memory_space<hbm>>
      %dma_wait3A_30 = arith.constant 0 : i32
      %dma_wait3A_31 = tpu.memref_slice %arg3[%mul3A_6, %dma_wait3A_30] : memref<4000x80xi32, #tpu.memory_space<hbm>> -> memref<125x80xi32, #tpu.memory_space<hbm>>
      tpu.wait_dma2 semaphore(%run_scoped3A : memref<!tpu.dma_semaphore, #tpu.memory_space<semaphore_mem>>) src(%dma_wait3A_31 : memref<125x80xi32, #tpu.memory_space<hbm>>) dst(%arg5 : memref<125x80xi32, #tpu.memory_space<vmem>>)
      tpu.yield
    }) : () -> ()
    %barrier3A = arith.constant 0 : index
    tpu.barrier barrier_id(%barrier3A)
    %scan3A = arith.constant 0 : i32
    %scan3A_7 = arith.constant 0 : i32
    %scan3A_8 = arith.constant 125 : i32
    %scan3A_9 = arith.addi %scan3A_7, %scan3A_8 : i32
    %scan3A_10 = arith.constant 1 : i32
    %scan3A_11 = scf.for %scan3A_26 = %scan3A_7 to %scan3A_9 step %scan3A_10 iter_args(%scan3A_27 = %scan3A) -> (i32)  : i32 {
      %mul3A_28 = arith.constant 80 : i32
      %mul3A_29 = arith.muli %scan3A_26, %mul3A_28 : i32
      %dma_start3A = tpu.memref_slice %arg6[%mul3A_29] : memref<10000xf32, #tpu.memory_space<vmem>> -> memref<80xf32, #tpu.memory_space<vmem>>
      %dma_start3A_30 = arith.constant 0 : i32
      %dma_start3A_31 = tpu.memref_slice %arg5[%scan3A_26, %dma_start3A_30] : memref<125x80xi32, #tpu.memory_space<vmem>> -> memref<1x80xi32, #tpu.memory_space<vmem>>
      %dma_start3A_32 = tpu.memref_squeeze %dma_start3A_31 : memref<1x80xi32, #tpu.memory_space<vmem>> -> memref<80xi32, #tpu.memory_space<vmem>>
      %dma_start3A_33 = arith.constant 0 : i32
      %dma_start3A_34 = tpu.memref_slice %arg8[%dma_start3A_33] : memref<10000xf32, #tpu.memory_space<vmem_shared>> -> memref<10000xf32, #tpu.memory_space<vmem_shared>>
      tpu.enqueue_indirect_dma source(%dma_start3A : memref<80xf32, #tpu.memory_space<vmem>>) target(%dma_start3A_34 : memref<10000xf32, #tpu.memory_space<vmem_shared>>) offsets(%dma_start3A_32 : memref<80xi32, #tpu.memory_space<vmem>>) semaphore(%arg9 : memref<!tpu.dma_semaphore, #tpu.memory_space<semaphore_mem>>) {add = true}
      %scan3A_35 = arith.constant 0 : i32
      scf.yield %scan3A_35 : i32
    }
    %scan3A_12 = arith.constant 125 : i32
    %scan3A_13 = arith.constant 0 : i32
    %scan3A_14 = arith.constant 0 : i32
    %scan3A_15 = arith.constant 125 : i32
    %scan3A_16 = arith.addi %scan3A_14, %scan3A_15 : i32
    %scan3A_17 = arith.constant 1 : i32
    %scan3A_18 = scf.for %scan3A_26 = %scan3A_14 to %scan3A_16 step %scan3A_17 iter_args(%scan3A_27 = %scan3A_13) -> (i32)  : i32 {
      %dma_wait3A = arith.constant 0 : i32
      %dma_wait3A_28 = arith.constant 0 : i32
      %dma_wait3A_29 = tpu.memref_slice %arg6[%dma_wait3A_28] : memref<10000xf32, #tpu.memory_space<vmem>> -> memref<80xf32, #tpu.memory_space<vmem>>
      %dma_wait3A_30 = arith.constant 0 : i32
      %dma_wait3A_31 = tpu.memref_slice %arg5[%dma_wait3A, %dma_wait3A_30] : memref<125x80xi32, #tpu.memory_space<vmem>> -> memref<1x80xi32, #tpu.memory_space<vmem>>
      %dma_wait3A_32 = tpu.memref_squeeze %dma_wait3A_31 : memref<1x80xi32, #tpu.memory_space<vmem>> -> memref<80xi32, #tpu.memory_space<vmem>>
      %dma_wait3A_33 = arith.constant 0 : i32
      %dma_wait3A_34 = tpu.memref_slice %arg8[%dma_wait3A_33] : memref<10000xf32, #tpu.memory_space<vmem_shared>> -> memref<10000xf32, #tpu.memory_space<vmem_shared>>
      tpu.wait_indirect_dma semaphore(%arg9 : memref<!tpu.dma_semaphore, #tpu.memory_space<semaphore_mem>>) src(%dma_wait3A_29 : memref<80xf32, #tpu.memory_space<vmem>>) dst(%dma_wait3A_34 : memref<10000xf32, #tpu.memory_space<vmem_shared>>)
      %scan3A_35 = arith.constant 0 : i32
      scf.yield %scan3A_35 : i32
    }
    %scan3A_19 = arith.constant 125 : i32
    %barrier3A_20 = arith.constant 0 : index
    tpu.barrier barrier_id(%barrier3A_20)
    %eq3A_21 = arith.constant 0 : i32
    %eq3A_22 = arith.cmpi eq, %arg1, %eq3A_21 : i32
    %convert_element_type3A_23 = arith.extui %eq3A_22 : i1 to i32
    %cond3A_24 = arith.constant 0 : i32
    %cond3A_25 = arith.cmpi ne, %convert_element_type3A_23, %cond3A_24 : i32
    scf.if %cond3A_25 {
      "tpu.region"() ({
        %run_scoped3A = tpu.sem_alloc : memref<!tpu.dma_semaphore, #tpu.memory_space<semaphore_mem>>
        %dma_start3A = arith.constant 0 : i32
        %dma_start3A_26 = tpu.memref_slice %arg4[%arg0, %dma_start3A] : memref<2x10000xf32, #tpu.memory_space<hbm>> -> memref<1x10000xf32, #tpu.memory_space<hbm>>
        %dma_start3A_27 = tpu.memref_squeeze %dma_start3A_26 : memref<1x10000xf32, #tpu.memory_space<hbm>> -> memref<10000xf32, #tpu.memory_space<hbm>>
        tpu.enqueue_dma source(%arg8 : memref<10000xf32, #tpu.memory_space<vmem_shared>>) target(%dma_start3A_27 : memref<10000xf32, #tpu.memory_space<hbm>>) target_semaphore(%run_scoped3A : memref<!tpu.dma_semaphore, #tpu.memory_space<semaphore_mem>>)
        %dma_wait3A = arith.constant 0 : i32
        %dma_wait3A_28 = tpu.memref_slice %arg4[%arg0, %dma_wait3A] : memref<2x10000xf32, #tpu.memory_space<hbm>> -> memref<1x10000xf32, #tpu.memory_space<hbm>>
        %dma_wait3A_29 = tpu.memref_squeeze %dma_wait3A_28 : memref<1x10000xf32, #tpu.memory_space<hbm>> -> memref<10000xf32, #tpu.memory_space<hbm>>
        tpu.wait_dma2 semaphore(%run_scoped3A : memref<!tpu.dma_semaphore, #tpu.memory_space<semaphore_mem>>) src(%arg8 : memref<10000xf32, #tpu.memory_space<vmem_shared>>) dst(%dma_wait3A_29 : memref<10000xf32, #tpu.memory_space<hbm>>)
        tpu.yield
      }) : () -> ()
    } else {
    }
    return
  }
}

module attributes {stable_mosaic.version = 14 : i64} {
  func.func @_proj_body(%arg0: memref<10000x128xf32, #tpu.memory_space<vmem>>, %arg1: memref<128x32xf32, #tpu.memory_space<vmem>>, %arg2: memref<128x32xf32, #tpu.memory_space<vmem>>, %arg3: memref<1x32xf32, #tpu.memory_space<vmem>>, %arg4: memref<10000x32xf32, #tpu.memory_space<vmem>>, %arg5: memref<10000x32xf32, #tpu.memory_space<vmem>>) attributes {dimension_semantics = [], scalar_prefetch = 0 : i64, scratch_operands = 0 : i64, tpu.core_type = #tpu.core_type<tc>} {
    %get3A = arith.constant 0 : index
    %get3A_0 = arith.constant 0 : index
    %get3A_1 = vector.load %arg0[%get3A, %get3A_0] : memref<10000x128xf32, #tpu.memory_space<vmem>>, vector<10000x128xf32>
    %get3A_2 = arith.constant 0 : index
    %get3A_3 = arith.constant 0 : index
    %get3A_4 = vector.load %arg1[%get3A_2, %get3A_3] : memref<128x32xf32, #tpu.memory_space<vmem>>, vector<128x32xf32>
    %dot_general3A = arith.constant dense<0.000000e+00> : vector<10000x32xf32>
    %dot_general3A_5 = tpu.matmul %get3A_1, %get3A_4, %dot_general3A {dimension_numbers = #tpu.dot_dimension_numbers<[1], [0], [0], [1], [0, 0, 1, 1], [], []>, precision = #tpu.contract_precision<fp32>, transpose_lhs_hint = false} : vector<10000x128xf32>, vector<128x32xf32>, vector<10000x32xf32> -> vector<10000x32xf32>
    %get3A_6 = arith.constant 0 : index
    %get3A_7 = arith.constant 0 : index
    %get3A_8 = vector.load %arg3[%get3A_6, %get3A_7] : memref<1x32xf32, #tpu.memory_space<vmem>>, vector<1x32xf32>
    %add3A = vector.broadcast %get3A_8 : vector<1x32xf32> to vector<10000x32xf32>
    %add3A_9 = arith.addf %dot_general3A_5, %add3A : vector<10000x32xf32>
    %swap3A = arith.constant 0 : index
    %swap3A_10 = arith.constant 0 : index
    %swap3A_11 = vector.load %arg4[%swap3A, %swap3A_10] : memref<10000x32xf32, #tpu.memory_space<vmem>>, vector<10000x32xf32>
    tpu.vector_store %arg4[%swap3A, %swap3A_10], %add3A_9 {strides = array<i32>} : memref<10000x32xf32, #tpu.memory_space<vmem>>, vector<10000x32xf32>,
    %get3A_12 = arith.constant 0 : index
    %get3A_13 = arith.constant 0 : index
    %get3A_14 = vector.load %arg2[%get3A_12, %get3A_13] : memref<128x32xf32, #tpu.memory_space<vmem>>, vector<128x32xf32>
    %dot_general3A_15 = arith.constant dense<0.000000e+00> : vector<10000x32xf32>
    %dot_general3A_16 = tpu.matmul %get3A_1, %get3A_14, %dot_general3A_15 {dimension_numbers = #tpu.dot_dimension_numbers<[1], [0], [0], [1], [0, 0, 1, 1], [], []>, precision = #tpu.contract_precision<fp32>, transpose_lhs_hint = false} : vector<10000x128xf32>, vector<128x32xf32>, vector<10000x32xf32> -> vector<10000x32xf32>
    %swap3A_17 = arith.constant 0 : index
    %swap3A_18 = arith.constant 0 : index
    %swap3A_19 = vector.load %arg5[%swap3A_17, %swap3A_18] : memref<10000x32xf32, #tpu.memory_space<vmem>>, vector<10000x32xf32>
    tpu.vector_store %arg5[%swap3A_17, %swap3A_18], %dot_general3A_16 {strides = array<i32>} : memref<10000x32xf32, #tpu.memory_space<vmem>>, vector<10000x32xf32>,
    return
  }
}

module attributes {stable_mosaic.version = 14 : i64} {
  func.func @_ex_body(%arg0: i32, %arg1: memref<64x128x32xf32, #tpu.memory_space<vmem>>, %arg2: memref<1x32xf32, #tpu.memory_space<vmem>>, %arg3: memref<64x128xf32, #tpu.memory_space<vmem>>) attributes {dimension_semantics = [#tpu.dimension_semantics<arbitrary>], iteration_bounds = array<i64: 40>, scalar_prefetch = 0 : i64, scratch_operands = 0 : i64, tpu.core_type = #tpu.core_type<tc>, window_params = [{transform_indices = @transform_0, window_bounds = array<i64: 64, 128, 32>}, {pipeline_mode = #tpu.pipeline_mode<synchronous>, transform_indices = @transform_1, window_bounds = array<i64: 1, 32>}, {transform_indices = @transform_2, window_bounds = array<i64: 64, 128>}]} {
    %get3A = arith.constant 0 : index
    %get3A_0 = arith.constant 0 : index
    %get3A_1 = arith.constant 0 : index
    %get3A_2 = vector.load %arg1[%get3A, %get3A_0, %get3A_1] : memref<64x128x32xf32, #tpu.memory_space<vmem>>, vector<64x128x32xf32>
    %mul3A = arith.constant 2.000000e-01 : f32
    %mul3A_3 = vector.broadcast %mul3A : f32 to vector<64x128x32xf32>
    %mul3A_4 = arith.mulf %get3A_2, %mul3A_3 : vector<64x128x32xf32>
    %max3A = arith.maximumf %get3A_2, %mul3A_4 : vector<64x128x32xf32>
    %get3A_5 = arith.constant 0 : index
    %get3A_6 = arith.constant 0 : index
    %get3A_7 = vector.load %arg2[%get3A_5, %get3A_6] : memref<1x32xf32, #tpu.memory_space<vmem>>, vector<1x32xf32>
    %reshape3A = vector.shape_cast %get3A_7 : vector<1x32xf32> to vector<1x1x32xf32>
    %mul3A_8 = vector.broadcast %reshape3A : vector<1x1x32xf32> to vector<64x128x32xf32>
    %mul3A_9 = arith.mulf %max3A, %mul3A_8 : vector<64x128x32xf32>
    %reduce_sum3A = arith.constant dense<0.000000e+00> : vector<64x128xf32>
    %reduce_sum3A_10 = vector.multi_reduction <add>, %mul3A_9, %reduce_sum3A [2] : vector<64x128x32xf32> to vector<64x128xf32>
    %exp3A = math.exp %reduce_sum3A_10 : vector<64x128xf32>
    %swap3A = arith.constant 0 : index
    %swap3A_11 = arith.constant 0 : index
    %swap3A_12 = vector.load %arg3[%swap3A, %swap3A_11] : memref<64x128xf32, #tpu.memory_space<vmem>>, vector<64x128xf32>
    tpu.vector_store %arg3[%swap3A, %swap3A_11], %exp3A {strides = array<i32>} : memref<64x128xf32, #tpu.memory_space<vmem>>, vector<64x128xf32>,
    return
  }
  func.func @transform_0(%arg0: i32) -> (i32, i32, i32) {
    %c0_i32 = arith.constant 0 : i32
    %c0_i32_0 = arith.constant 0 : i32
    %c0_i32_1 = arith.constant 0 : i32
    return %arg0, %c0_i32, %c0_i32_0 : i32, i32, i32
  }
  func.func @transform_1(%arg0: i32) -> (i32, i32) {
    %c0_i32 = arith.constant 0 : i32
    %c0_i32_0 = arith.constant 0 : i32
    %c0_i32_1 = arith.constant 0 : i32
    return %c0_i32, %c0_i32_0 : i32, i32
  }
  func.func @transform_2(%arg0: i32) -> (i32, i32) {
    %c0_i32 = arith.constant 0 : i32
    %c0_i32_0 = arith.constant 0 : i32
    return %arg0, %c0_i32 : i32, i32
  }
}

</mosaic_0001>

<sc_bundles>
// kernel: kernel.10.cloned.1.call-start
scs
__scs_entry_jumppad:
0x0: {  	(pc) =	sbr.rel $0x88, $3  }
0x1: {  	(tag) =	ssettag $0x0;
	lr =	simm.s32 $0x1  }
0x2: {  	[smem:$0x3F9C] =	sst lr;
	_ =	strace $0xD0000000  }
0x3: {  	_ = 	snop  }
0x4: {  	_ = 	snop  }
0x5: {  	_ = 	snop  }
0x6: {  	_ = 	snop  }
0x7: {  	_ = 	snop  }
__scs_overlays_trampoline_lowered:
0x8: {  	[smem:$0x3FAB] =	sst s0  }
0x9: {  	[smem:$0x3FAC] =	sst s1  }
0xa: {  	[smem:$0x3FAD] =	sst s2  }
0xb: {  	[smem:$0x3FAE] =	sst s3  }
0xc: {  	[smem:$0x3FAF] =	sst s4  }
0xd: {  	[smem:$0x3FB0] =	sst s5  }
0xe: {  	[smem:$0x3FB1] =	sst s6  }
0xf: {  	[smem:$0x3FB2] =	sst s7  }
0x10: {  	[smem:$0x3FB3] =	sst s8  }
0x11: {  	[smem:$0x3FB4] =	sst s9;
	s0 =	simm.s32 @!p0 $0x0  }
0x12: {  	s1 =	sld [smem:$0x3F9A];
	s0 =	simm.s32 @p0 $0x1  }
0x13: {  	[smem:$0x3FB5] =	sst s0;
	s0 =	simm.s32 @!p1 $0x0  }
0x14: {  	s2 =	sld [smem:$0x3F99];
	s0 =	simm.s32 @p1 $0x1  }
0x15: {  	[smem:$0x3FB6] =	sst s0;
	s0 =	simm.s32 @!p2 $0x0  }
0x16: {  	s3 =	sld [smem:$0x3FDB];
	s0 =	simm.s32 @p2 $0x1  }
0x17: {  	s4 =	simm.s32 $0x1BF5;
	[smem:$0x3FB8] =	sst s0  }
0x18: {  	s0 =	sld [smem:$0x3F9B];
	_ =	swait.ge [sflag:s4], $0x0  }
0x19: {  	s7 =	sld [smem:$0x3F9C]  }
0x1a: {  	s8 =	sadd.s32 $0xFFFFE003, lr  }
0x1b: {  	s9 =	sadd.s32 $0xFFFFFEF7, lr;
	s5 =	simm.s32 $0xFFFFFFFF;
	p2 =	slt.u32 s8, $0xFFFFF086  }
0x1c: {  	p1 =	slt.u32 s9, $0xF7A;
	s5 =	simm.s32 @!p2 $0x0  }
0x1d: {  	s5 =	simm.s32 @p1 $0x1;
	p0 =	seq.s32 s7, s2  }
0x1e: {  	s7 =	smul.u32 @!p0 $0xF7A, s2;
	p2 =	seq.s32 @!p0 s5, $0x0  }
0x1f: {  	s9 =	smul.u32 $0xF7A, s1;
	s8 =	simm.s32 @!p0 $0x1BF5;
	p2 =	por !p2, p0  }
0x20: {  	[sflag:s8] =	ssyncset.s32 @!p0 $0xFFFFF086;
	s6 =	sadd.s32 @!p0 s3, s7;
	s7 =	simm.s32 @!p0 $0x108  }
0x21: {  	s3 =	sadd.s32 s3, s9;
	s6 =	sadd.s32 @!p0 $0x88, s6;
	s7 =	simm.s32 @p2 $0x1082  }
0x22: {  	[simem:s7], [sflag:s8] =	dma.local @!p0 [hbm:s6], $0xF7A  }
0x23: {  	s9 =	sor.u32 $0xD0000000, s2;
	s6 =	simm.s32 $0x108;
	_ =	swait.ge @!p0 [sflag:s8], $0x0  }
0x24: {  	s3 =	sadd.s32 $0x88, s3;
	s6 =	simm.s32 @!p1 $0x1082;
	[sflag:s4] =	ssyncset.s32 $0xFFFFF086  }
0x25: {  	[simem:s6], [sflag:s4] =	dma.local [hbm:s3], $0xF7A  }
0x26: {  	[smem:$0x3F9C] =	sst s1;
	(tag) =	ssettag s2;
	_ =	strace s9  }
0x27: {  	s1 =	sld [smem:$0x3FAC]  }
0x28: {  	s2 =	sld [smem:$0x3FAD]  }
0x29: {  	s4 =	sld [smem:$0x3FAF]  }
0x2a: {  	p0 =	seq.s32 s5, $0x0;
	s5 =	sld [smem:$0x3FB0]  }
0x2b: {  	s6 =	sld [smem:$0x3FB1]  }
0x2c: {  	s7 =	sld [smem:$0x3FB2]  }
0x2d: {  	s3 =	simm.s32 $0x108;
	s8 =	sld [smem:$0x3FB3]  }
0x2e: {  	s3 =	simm.s32 @!p0 $0x1082;
	s9 =	sld [smem:$0x3FB4]  }
0x2f: {  	lr =	sadd.s32 s0, s3;
	s0 =	sld [smem:$0x3FAB]  }
0x30: {  	s3 =	sld [smem:$0x3FAE]  }
0x31: {  	[smem:$0x3FB7] =	sst s10  }
0x32: {  	s10 =	sld [smem:$0x3FB5];
	_ =	sdelay $0x3  }
0x33: {  	p0 =	seq.s32 s10, $0x1;
	s10 =	sld [smem:$0x3FB7];
	_ =	sdelay $0x3  }
0x34: {  	[smem:$0x3FB7] =	sst s10  }
0x35: {  	s10 =	sld [smem:$0x3FB6];
	_ =	sdelay $0x3  }
0x36: {  	p1 =	seq.s32 s10, $0x1;
	s10 =	sld [smem:$0x3FB7];
	_ =	sdelay $0x3  }
0x37: {  	[smem:$0x3FB7] =	sst s10  }
0x38: {  	s10 =	sld [smem:$0x3FB8]  }
0x39: {  	_ = 	snop;
	(pc) =	sbr.ind lr, $3  }
0x3a: {  	_ = 	snop  }
0x3b: {  	_ = 	snop  }
0x3c: {  	p2 =	seq.s32 s10, $0x1;
	s10 =	sld [smem:$0x3FB7]  }
0x3d: {  	_ =	shalt  }
0x3e: {  	_ =	shalt  }
0x3f: {  	_ =	shalt  }
0x40: {  	_ =	shalt  }
0x41: {  	_ =	shalt  }
0x42: {  	_ =	shalt  }
0x43: {  	_ =	shalt  }
0x44: {  	_ =	shalt  }
0x45: {  	_ =	shalt  }
0x46: {  	_ =	shalt  }
0x47: {  	_ =	shalt  }
0x48: {  	_ =	shalt  }
0x49: {  	_ =	shalt  }
0x4a: {  	_ =	shalt  }
0x4b: {  	_ =	shalt  }
0x4c: {  	_ =	shalt  }
0x4d: {  	_ =	shalt  }
0x4e: {  	_ =	shalt  }
0x4f: {  	_ =	shalt  }
0x50: {  	_ =	shalt  }
0x51: {  	_ =	shalt  }
0x52: {  	_ =	shalt  }
0x53: {  	_ =	shalt  }
0x54: {  	_ =	shalt  }
0x55: {  	_ =	shalt  }
0x56: {  	_ =	shalt  }
0x57: {  	_ =	shalt  }
0x58: {  	_ =	shalt  }
0x59: {  	_ =	shalt  }
0x5a: {  	_ =	shalt  }
0x5b: {  	_ =	shalt  }
0x5c: {  	_ =	shalt  }
0x5d: {  	_ =	shalt  }
0x5e: {  	_ =	shalt  }
0x5f: {  	_ =	shalt  }
0x60: {  	_ =	shalt  }
0x61: {  	_ =	shalt  }
0x62: {  	_ =	shalt  }
0x63: {  	_ =	shalt  }
0x64: {  	_ =	shalt  }
0x65: {  	_ =	shalt  }
0x66: {  	_ =	shalt  }
0x67: {  	_ =	shalt  }
0x68: {  	_ =	shalt  }
0x69: {  	_ =	shalt  }
0x6a: {  	_ =	shalt  }
0x6b: {  	_ =	shalt  }
0x6c: {  	_ =	shalt  }
0x6d: {  	_ =	shalt  }
0x6e: {  	_ =	shalt  }
0x6f: {  	_ =	shalt  }
0x70: {  	_ =	shalt  }
0x71: {  	_ =	shalt  }
0x72: {  	_ =	shalt  }
0x73: {  	_ =	shalt  }
0x74: {  	_ =	shalt  }
0x75: {  	_ =	shalt  }
0x76: {  	_ =	shalt  }
0x77: {  	_ =	shalt  }
0x78: {  	_ =	shalt  }
0x79: {  	_ =	shalt  }
0x7a: {  	_ =	shalt  }
0x7b: {  	_ =	shalt  }
0x7c: {  	_ =	shalt  }
0x7d: {  	_ =	shalt  }
0x7e: {  	_ =	shalt  }
0x7f: {  	_ =	shalt  }
0x80: {  	_ =	shalt  }
0x81: {  	_ =	shalt  }
0x82: {  	_ =	shalt  }
0x83: {  	_ =	shalt  }
0x84: {  	_ =	shalt  }
0x85: {  	_ =	shalt  }
0x86: {  	_ =	shalt  }
0x87: {  	_ =	shalt  }
.Lfunc_end0:
.L_simem_size_0:
called_computation.1_lowered:
.L_overlay_start_0:
0x88: {  	s2 =	sld [smem:$0x3FD9]  }
0x89: {  	s3 =	sld [smem:$0x3FFE];
	_ =	sdelay $0x1  }
0x8a: {  	s1 =	srdreg.scid  }
0x8b: {  	s0 =	sand.u32 $0x1, s1  }
0x8c: {  	s17 =	sshll.u32 s0, $0xA;
	s2 =	sadd.s32 s3, s2  }
0x8d: {  	s2 =	sadd.s32 s2, s17  }
0x8e: {  	[smem:$0x3FC3] =	sst s2  }
0x8f: {  	_ = 	snop  }
0x90: {  	s2 =	sld [smem:$0x3FD0];
	(tm) =	ssettm $0x1  }
0x91: {  	s18 =	sld [smem:$0x3FFB];
	_ =	sdelay $0x3  }
0x92: {  	_ =	strace s18  }
0x93: {  	s3 =	sld [smem:$0x3FFC];
	_ =	sdelay $0x3  }
0x94: {  	_ =	strace s3  }
0x95: {  	s3 =	sld [smem:$0x3FFD];
	_ =	sdelay $0x3  }
0x96: {  	_ =	strace s3  }
0x97: {  	_ =	strace $0x8FFFFFFF  }
0x98: {  	s19 =	sld [smem:$0x3FDB];
	_ =	sdelay $0x1  }
0x99: {  	s4 =	simm.s32 $_scs_section_size  }
0x9a: {  	s5 =	simm.s32 $_size__tile_overlayer_lowered;
	s6 =	simm.s32 $_tile_overlayer_lowered  }
0x9b: {  	s22 =	simm.s32 $0x1BFF;
	s21 =	sshll.u32 s6, $0x1;
	s3 =	sadd.s32 s4, s19  }
0x9c: {  	s7 =	simm.s32 $0x0;
	s20 =	sshll.u32 s5, $0x1;
	s5 =	sadd.s32 s21, s3  }
0x9d: {  	[timem:s7], [sflag:s22] =	dma.local [hbm:s5], s20  }
0x9e: {  	_ =	swait.ge [sflag:s22], s20  }
0x9f: {  	s4 =	ssub.s32 $0x0, s20;
	[sflag:s22] =	ssyncset.done $0x0  }
0xa0: {  	[sflag:s22] =	ssyncadd.s32 s4;
	_ =	sdelay $0x1  }
0xa1: {  	s23 =	simm.s32 $0x1B8B  }
0xa2: {  	_ =	swait.ge [sflag:s23], $0x1  }
0xa3: {  	[sflag:s23] =	ssyncset.done $0x0  }
0xa4: {  	s25 =	simm.s32 $0x1B8E;
	s24 =	sld [smem:$0x3FFE];
	[sflag:s23] =	ssyncadd.s32 $0xFFFFFFFF  }
0xa5: {  	s26 =	simm.s32 $execute0_lowered;
	[smem:$0x3FD2] =	sst s25  }
0xa6: {  	s5 =	sshll.u32 s26, $0x1;
	_ =	strace $0x80000049;
	[dreg:$0x1] =	wrdreg $0xFFFFFFFF  }
0xa7: {  	s28 =	simm.s32 $_size_execute0_lowered;
	s3 =	sadd.s32 s3, s5;
	[dreg:$0x0] =	wrdreg $0x0  }
0xa8: {  	s5 =	sshll.u32 s28, $0x1;
	[dreg:$0x2] =	wrdreg s3  }
0xa9: {  	[dreg:$0x3] =	wrdreg s5  }
0xaa: {  	[dreg:$0x4] =	wrdreg $0xC0  }
0xab: {  	_ =	task [dreg:s7], $0x5FFFF  }
0xac: {  	[dreg:$0x1] =	wrdreg $0xFFFFFFFF  }
0xad: {  	[dreg:$0x0] =	wrdreg $0x60  }
0xae: {  	[dreg:$0x2] =	wrdreg s24  }
0xaf: {  	[dreg:$0x3] =	wrdreg s2  }
0xb0: {  	[dreg:$0x4] =	wrdreg $0x75300  }
0xb1: {  	[dreg:$0x5] =	wrdreg $0x9  }
0xb2: {  	_ =	task.clear_ibuf [dreg:s7], $0x6FFFF;
	_ =	strace $0x90000049  }
0xb3: {  	s29 =	simm.s32 $0x9;
	_ =	strace $0x8000004B  }
0xb4: {  	_ =	swait.ge [sflag:s29], $0x1  }
0xb5: {  	[sflag:s29] =	ssyncadd.s32 $0xFFFFFFFF  }
0xb6: {  	_ =	strace $0x9000004B  }
0xb7: {  	_ =	sfence  }
0xb8: {  	s30 =	sld [smem:$0x0];
	_ =	sdelay $0x2  }
0xb9: {  	s31 =	sshll.u32 s1, $0xD;
	s1 =	sshrl.u32 s1, $0x2  }
0xba: {  	s3 =	sand.u32 $0x4000, s31;
	s1 =	sadd.s32 s1, s30  }
0xbb: {  	s0 =	sor.u32 s3, s0;
	s1 =	sshll.u32 s1, $0x11  }
0xbc: {  	s0 =	sor.u32 s1, s0  }
0xbd: {  	s0 =	sadd.s32 $0x8F2B, s0  }
0xbe: {  	[sflag:s0] =	ssyncadd.remote.s32 $0x1  }
0xbf: {  	_ =	sfence.sel $0xFFFF  }
0xc0: {  	[dreg:$0x0] =	wrdreg $0xFFFFFFFF;
	(pc) =	sbr.abs _section_cstart, $3  }
0xc1: {  	[dreg:$0x1] =	wrdreg $0xFFFFFFFF  }
0xc2: {  	_ =	task.clear_ibuf [dreg:s7], $0x2FFFF;
	_ =	strace $0x9FFFFFFF  }
0xc3: {  	(tm) =	ssettm $0x7FFFFFFF  }
tec
execute0_lowered:
.L_overlay_start_1:
0x0: {  	(tag) =	ssettag $0x1  }
0x1: {  	s3 =	rddreg [dreg:$0x0]  }
0x2: {  	s5 =	rddreg [dreg:$0x1];
	s0 =	srdreg.scid  }
0x3: {  	s7 =	stileid.u32;
	s1 =	rddreg [dreg:$0x2]  }
0x4: {  	s2 =	simm.s32 $0x0;
	s10 =	simm.s32 $0x50;
	s11 =	simm.s32 $0x1  }
0x5: {  	s4 =	sand.u32 $0x1, s0;
	s6 =	sshll.u32 s7, $0x1;
	s0 =	rddreg [dreg:$0x3]  }
0x6: {  	[smem:$0x7FF] =	sst s2;
	p0 =	sne.s32 s7, $0x0;
	s6 =	sor.u32 s4, s6  }
0x7: {  	s7 =	simm.s32 $0x4E20;
	s8 =	ssub.s32 $0x2, s4;
	s6 =	smul.u32 $0x4E2, s6  }
0x8: {  	_ =	strace $0x8000004A;
	s9 =	smul.u32 $0x4E2, s4;
	s31 =	sshrl.u32 s8, $0x1  }
0x9: {  	s12 =	sshrl.u32 @!p0 s1, $0x3;
	s8 =	ssub.s32 s8, s31;
	s6 =	sadd.s32 s6, s3  }
0xa: {  	s5 =	sadd.s32 s5, s9;
	s9 =	simm.s32 $0x2710;
	s3 =	sadd.s32 $0x14200, s6  }
0xb: {  	v0 =	vimm.f32 $0.0e+00;
	s4 =	sadd.s32 $0xA400, s6;
	s6 =	smax.u32 s8, $0x1;
	s8 =	simm.s32 $0x2  }
.LBB2_1:
.Ltmp0:
0xc: {  	(pc) =	sbr.rel @p0 .LBB2_5-.Ltmp0, $1  }
0xd: {  	_ =	sdelay $0x3  }
0xe: {  	s13 =	simm.s32 $0x40;
	s14 =	simm.s32 $0x0  }
.LBB2_3:
0xf: {  	p1 =	sne.s32 s13, $0x9C00;
	[tilespmem:s14+$0x4E20] =	vst v0;
	s14 =	smov.u32 s13;
	s13 =	sadd.s32 $0x40, s13  }
.Ltmp1:
0x10: {  	(pc) =	sbr.rel @p1 .LBB2_3-.Ltmp1, $2  }
0x11: {  	_ =	sdelay $0x2  }
0x12: {  	s14 =	sshra.s32 s14, $0x2  }
0x13: {  	[tilespmem:s14+$0x4E20] =	vst v0  }
0x14: {  	[spmem:s1] =	stream.linear.scatter [tilespmem:s7], [sflag:$0x2], $0x2710, $0x38;
	[tilespmem:$0x77A8] =	vst v63  }
0x15: {  	_ =	swait.ge [sflag:s8], $0x2710  }
0x16: {  	[sflag:s8] =	ssyncset.done $0x0  }
0x17: {  	[sflag:s8] =	ssyncadd.s32 $0xFFFFD8F0  }
.LBB2_5:
0x18: {  	s13 =	simm.s32 $0x0  }
0x19: {  	[tilespmem:s9], [sflag:$0x2] =	stream.linear.gather [hbm4b:s3+s13], $0x2710, $0x38;
	[tilespmem:$0x77A8] =	vst v63  }
0x1a: {  	_ =	swait.ge [sflag:s8], $0x2710  }
0x1b: {  	[sflag:s8] =	ssyncset.done $0x0  }
0x1c: {  	[sflag:s8] =	ssyncadd.s32 $0xFFFFD8F0  }
0x1d: {  	[tilespmem:s13], [sflag:$0x2] =	stream.linear.gather [hbm4b:s4+s13], $0x2710, $0x38;
	[tilespmem:$0x77A8] =	vst v63  }
0x1e: {  	_ =	swait.ge [sflag:s8], $0x2710  }
0x1f: {  	[sflag:s8] =	ssyncset.done $0x0  }
0x20: {  	[sflag:s8] =	ssyncadd.s32 $0xFFFFD8F0  }
0x21: {  	[bflag:$0x0] =	sbarrier.arrive $0xFFFF  }
.LBB2_6:
0x22: {  	p1 =	sne.s32 s13, $0x9B00  }
.Ltmp2:
0x23: {  	_ = 	snop;
	(pc) =	sbr.rel @p1 .LBB2_6-.Ltmp2, $4  }
0x24: {  	_ = 	snop  }
0x25: {  	s14 =	sshra.s32 s13, $0x2  }
0x26: {  	s13 =	sadd.s32 $0x140, s13;
	s15 =	sadd.s32 $0x2710, s14  }
0x27: {  	[spmem:s1] =	stream.indirect.scatter.add.f32 [tilespmem:s15], [sflag:$0x1], $0x1, s14, s10, $0xb8;
	[tilespmem:$0x77A8] =	vst v63  }
0x28: {  	_ =	swait.ge [sflag:s11], $0x50  }
0x29: {  	s13 =	simm.s32 $0x7C;
	[sflag:s11] =	ssyncset.done $0x0  }
.LBB2_8:
0x2a: {  	p1 =	sne.s32 s13, $0x1;
	s13 =	sadd.s32 $0xFFFFFFFF, s13;
	[sflag:s11] =	ssyncadd.s32 $0xFFFFFFB0  }
.Ltmp3:
0x2b: {  	(pc) =	sbr.rel @p1 .LBB2_8-.Ltmp3, $3  }
0x2c: {  	_ =	sdelay $0x1  }
0x2d: {  	_ =	swait.ge [sflag:s11], $0x50  }
0x2e: {  	[sflag:s11] =	ssyncset.done $0x0  }
0x2f: {  	[sflag:s11] =	ssyncadd.s32 $0xFFFFFFB0;
	s2 =	sadd.s32 $0x1, s2  }
0x30: {  	s13 =	simm.s32 @!p0 $0x1C02;
	[bflag:$0x0] =	sbarrier.arrive $0xFFFF;
	p1 =	sne.s32 s2, s6  }
0x31: {  	[hbm:s5], [sflag:s13] =	dma.local @!p0 [spmem:s12], $0x4E2  }
.Ltmp4:
0x32: {  	_ = 	snop;
	(pc) =	sbr.rel @p1 .LBB2_1-.Ltmp4, $4  }
0x33: {  	s13 =	simm.s32 @!p0 $0x2  }
0x34: {  	_ =	swait.ge @!p0 [sflag:s13], $0x4E2  }
0x35: {  	[sflag:s13] =	ssyncset.done @!p0 $0x0  }
0x36: {  	[sflag:s13] =	ssyncadd.s32 @!p0 $0xFFFFFB1E  }
0x37: {  	_ =	sfence.sel $0x180000  }
0x38: {  	[bflag:$0x0] =	sbarrier.arrive $0xFFFF  }
0x39: {  	_ =	strace $0x9000004A  }
0x3a: {  	s0 =	sadd.s32 @!p0 $0x100000, s0;
	[bflag:$0x2] =	sbarrier.arrive $0xFFFF  }
0x3b: {  	[sflag:s0] =	ssyncadd.tile.s32 @!p0 $0x1;
	_ =	shalt  }
.Lfunc_end2:
_tile_overlayer_lowered:
.L_overlay_start_2:
0x3c: {  	(tag) =	ssettag $0x2  }
0x3d: {  	s0 =	rddreg [dreg:$0x0];
	s2 =	stileid.u32  }
0x3e: {  	s1 =	rddreg [dreg:$0x1];
	p0 =	sne.s32 s2, $0x0  }
0x3f: {  	s3 =	rddreg [dreg:$0x2];
	[bflag:$0x3] =	sbarrier.arrive $0xFFFF;
	s2 =	simm.s32 @!p0 $0x1C02  }
0x40: {  	[timem:s3], [sflag:s2] =	dma.local @!p0 [hbm:s0], s1  }
0x41: {  	s0 =	simm.s32 @!p0 $0x2  }
0x42: {  	_ =	swait.ge @!p0 [sflag:s0], s1  }
0x43: {  	s1 =	ssub.s32 @!p0 $0x0, s1;
	[sflag:s0] =	ssyncset.done @!p0 $0x0  }
0x44: {  	[sflag:s0] =	ssyncadd.s32 @!p0 s1  }
0x45: {  	[bflag:$0x3] =	sbarrier.arrive $0xFFFF  }
0x46: {  	_ =	shalt  }

// kernel: kernel.13.cloned.1.call-start
scs
__scs_entry_jumppad:
0x0: {  	(pc) =	sbr.rel $0x88, $3  }
0x1: {  	(tag) =	ssettag $0x0;
	lr =	simm.s32 $0x1  }
0x2: {  	[smem:$0x3F9C] =	sst lr;
	_ =	strace $0xD0000000  }
0x3: {  	_ = 	snop  }
0x4: {  	_ = 	snop  }
0x5: {  	_ = 	snop  }
0x6: {  	_ = 	snop  }
0x7: {  	_ = 	snop  }
__scs_overlays_trampoline_lowered:
0x8: {  	[smem:$0x3FAB] =	sst s0  }
0x9: {  	[smem:$0x3FAC] =	sst s1  }
0xa: {  	[smem:$0x3FAD] =	sst s2  }
0xb: {  	[smem:$0x3FAE] =	sst s3  }
0xc: {  	[smem:$0x3FAF] =	sst s4  }
0xd: {  	[smem:$0x3FB0] =	sst s5  }
0xe: {  	[smem:$0x3FB1] =	sst s6  }
0xf: {  	[smem:$0x3FB2] =	sst s7  }
0x10: {  	[smem:$0x3FB3] =	sst s8  }
0x11: {  	[smem:$0x3FB4] =	sst s9;
	s0 =	simm.s32 @!p0 $0x0  }
0x12: {  	s1 =	sld [smem:$0x3F9A];
	s0 =	simm.s32 @p0 $0x1  }
0x13: {  	[smem:$0x3FB5] =	sst s0;
	s0 =	simm.s32 @!p1 $0x0  }
0x14: {  	s2 =	sld [smem:$0x3F99];
	s0 =	simm.s32 @p1 $0x1  }
0x15: {  	[smem:$0x3FB6] =	sst s0;
	s0 =	simm.s32 @!p2 $0x0  }
0x16: {  	s3 =	sld [smem:$0x3FDB];
	s0 =	simm.s32 @p2 $0x1  }
0x17: {  	s4 =	simm.s32 $0x1BF5;
	[smem:$0x3FB8] =	sst s0  }
0x18: {  	s0 =	sld [smem:$0x3F9B];
	_ =	swait.ge [sflag:s4], $0x0  }
0x19: {  	s7 =	sld [smem:$0x3F9C]  }
0x1a: {  	s8 =	sadd.s32 $0xFFFFE003, lr  }
0x1b: {  	s9 =	sadd.s32 $0xFFFFFEF7, lr;
	s5 =	simm.s32 $0xFFFFFFFF;
	p2 =	slt.u32 s8, $0xFFFFF086  }
0x1c: {  	p1 =	slt.u32 s9, $0xF7A;
	s5 =	simm.s32 @!p2 $0x0  }
0x1d: {  	s5 =	simm.s32 @p1 $0x1;
	p0 =	seq.s32 s7, s2  }
0x1e: {  	s7 =	smul.u32 @!p0 $0xF7A, s2;
	p2 =	seq.s32 @!p0 s5, $0x0  }
0x1f: {  	s9 =	smul.u32 $0xF7A, s1;
	s8 =	simm.s32 @!p0 $0x1BF5;
	p2 =	por !p2, p0  }
0x20: {  	[sflag:s8] =	ssyncset.s32 @!p0 $0xFFFFF086;
	s6 =	sadd.s32 @!p0 s3, s7;
	s7 =	simm.s32 @!p0 $0x108  }
0x21: {  	s3 =	sadd.s32 s3, s9;
	s6 =	sadd.s32 @!p0 $0x88, s6;
	s7 =	simm.s32 @p2 $0x1082  }
0x22: {  	[simem:s7], [sflag:s8] =	dma.local @!p0 [hbm:s6], $0xF7A  }
0x23: {  	s9 =	sor.u32 $0xD0000000, s2;
	s6 =	simm.s32 $0x108;
	_ =	swait.ge @!p0 [sflag:s8], $0x0  }
0x24: {  	s3 =	sadd.s32 $0x88, s3;
	s6 =	simm.s32 @!p1 $0x1082;
	[sflag:s4] =	ssyncset.s32 $0xFFFFF086  }
0x25: {  	[simem:s6], [sflag:s4] =	dma.local [hbm:s3], $0xF7A  }
0x26: {  	[smem:$0x3F9C] =	sst s1;
	(tag) =	ssettag s2;
	_ =	strace s9  }
0x27: {  	s1 =	sld [smem:$0x3FAC]  }
0x28: {  	s2 =	sld [smem:$0x3FAD]  }
0x29: {  	s4 =	sld [smem:$0x3FAF]  }
0x2a: {  	p0 =	seq.s32 s5, $0x0;
	s5 =	sld [smem:$0x3FB0]  }
0x2b: {  	s6 =	sld [smem:$0x3FB1]  }
0x2c: {  	s7 =	sld [smem:$0x3FB2]  }
0x2d: {  	s3 =	simm.s32 $0x108;
	s8 =	sld [smem:$0x3FB3]  }
0x2e: {  	s3 =	simm.s32 @!p0 $0x1082;
	s9 =	sld [smem:$0x3FB4]  }
0x2f: {  	lr =	sadd.s32 s0, s3;
	s0 =	sld [smem:$0x3FAB]  }
0x30: {  	s3 =	sld [smem:$0x3FAE]  }
0x31: {  	[smem:$0x3FB7] =	sst s10  }
0x32: {  	s10 =	sld [smem:$0x3FB5];
	_ =	sdelay $0x3  }
0x33: {  	p0 =	seq.s32 s10, $0x1;
	s10 =	sld [smem:$0x3FB7];
	_ =	sdelay $0x3  }
0x34: {  	[smem:$0x3FB7] =	sst s10  }
0x35: {  	s10 =	sld [smem:$0x3FB6];
	_ =	sdelay $0x3  }
0x36: {  	p1 =	seq.s32 s10, $0x1;
	s10 =	sld [smem:$0x3FB7];
	_ =	sdelay $0x3  }
0x37: {  	[smem:$0x3FB7] =	sst s10  }
0x38: {  	s10 =	sld [smem:$0x3FB8]  }
0x39: {  	_ = 	snop;
	(pc) =	sbr.ind lr, $3  }
0x3a: {  	_ = 	snop  }
0x3b: {  	_ = 	snop  }
0x3c: {  	p2 =	seq.s32 s10, $0x1;
	s10 =	sld [smem:$0x3FB7]  }
0x3d: {  	_ =	shalt  }
0x3e: {  	_ =	shalt  }
0x3f: {  	_ =	shalt  }
0x40: {  	_ =	shalt  }
0x41: {  	_ =	shalt  }
0x42: {  	_ =	shalt  }
0x43: {  	_ =	shalt  }
0x44: {  	_ =	shalt  }
0x45: {  	_ =	shalt  }
0x46: {  	_ =	shalt  }
0x47: {  	_ =	shalt  }
0x48: {  	_ =	shalt  }
0x49: {  	_ =	shalt  }
0x4a: {  	_ =	shalt  }
0x4b: {  	_ =	shalt  }
0x4c: {  	_ =	shalt  }
0x4d: {  	_ =	shalt  }
0x4e: {  	_ =	shalt  }
0x4f: {  	_ =	shalt  }
0x50: {  	_ =	shalt  }
0x51: {  	_ =	shalt  }
0x52: {  	_ =	shalt  }
0x53: {  	_ =	shalt  }
0x54: {  	_ =	shalt  }
0x55: {  	_ =	shalt  }
0x56: {  	_ =	shalt  }
0x57: {  	_ =	shalt  }
0x58: {  	_ =	shalt  }
0x59: {  	_ =	shalt  }
0x5a: {  	_ =	shalt  }
0x5b: {  	_ =	shalt  }
0x5c: {  	_ =	shalt  }
0x5d: {  	_ =	shalt  }
0x5e: {  	_ =	shalt  }
0x5f: {  	_ =	shalt  }
0x60: {  	_ =	shalt  }
0x61: {  	_ =	shalt  }
0x62: {  	_ =	shalt  }
0x63: {  	_ =	shalt  }
0x64: {  	_ =	shalt  }
0x65: {  	_ =	shalt  }
0x66: {  	_ =	shalt  }
0x67: {  	_ =	shalt  }
0x68: {  	_ =	shalt  }
0x69: {  	_ =	shalt  }
0x6a: {  	_ =	shalt  }
0x6b: {  	_ =	shalt  }
0x6c: {  	_ =	shalt  }
0x6d: {  	_ =	shalt  }
0x6e: {  	_ =	shalt  }
0x6f: {  	_ =	shalt  }
0x70: {  	_ =	shalt  }
0x71: {  	_ =	shalt  }
0x72: {  	_ =	shalt  }
0x73: {  	_ =	shalt  }
0x74: {  	_ =	shalt  }
0x75: {  	_ =	shalt  }
0x76: {  	_ =	shalt  }
0x77: {  	_ =	shalt  }
0x78: {  	_ =	shalt  }
0x79: {  	_ =	shalt  }
0x7a: {  	_ =	shalt  }
0x7b: {  	_ =	shalt  }
0x7c: {  	_ =	shalt  }
0x7d: {  	_ =	shalt  }
0x7e: {  	_ =	shalt  }
0x7f: {  	_ =	shalt  }
0x80: {  	_ =	shalt  }
0x81: {  	_ =	shalt  }
0x82: {  	_ =	shalt  }
0x83: {  	_ =	shalt  }
0x84: {  	_ =	shalt  }
0x85: {  	_ =	shalt  }
0x86: {  	_ =	shalt  }
0x87: {  	_ =	shalt  }
.Lfunc_end0:
.L_simem_size_0:
called_computation.2_lowered:
.L_overlay_start_0:
0x88: {  	s2 =	sld [smem:$0x3FD9]  }
0x89: {  	s3 =	sld [smem:$0x3FFE];
	_ =	sdelay $0x1  }
0x8a: {  	s1 =	srdreg.scid  }
0x8b: {  	s0 =	sand.u32 $0x1, s1  }
0x8c: {  	s17 =	sshll.u32 s0, $0xA;
	s2 =	sadd.s32 s3, s2  }
0x8d: {  	s2 =	sadd.s32 s2, s17  }
0x8e: {  	[smem:$0x3FC3] =	sst s2  }
0x8f: {  	_ = 	snop  }
0x90: {  	s2 =	sld [smem:$0x3FD0];
	(tm) =	ssettm $0x1  }
0x91: {  	s18 =	sld [smem:$0x3FFB];
	_ =	sdelay $0x3  }
0x92: {  	_ =	strace s18  }
0x93: {  	s3 =	sld [smem:$0x3FFC];
	_ =	sdelay $0x3  }
0x94: {  	_ =	strace s3  }
0x95: {  	s3 =	sld [smem:$0x3FFD];
	_ =	sdelay $0x3  }
0x96: {  	_ =	strace s3  }
0x97: {  	_ =	strace $0x8FFFFFFF  }
0x98: {  	s19 =	sld [smem:$0x3FDB];
	_ =	sdelay $0x1  }
0x99: {  	s4 =	simm.s32 $_scs_section_size  }
0x9a: {  	s5 =	simm.s32 $_size__tile_overlayer_lowered;
	s6 =	simm.s32 $_tile_overlayer_lowered  }
0x9b: {  	s22 =	simm.s32 $0x1BFF;
	s21 =	sshll.u32 s6, $0x1;
	s3 =	sadd.s32 s4, s19  }
0x9c: {  	s7 =	simm.s32 $0x0;
	s20 =	sshll.u32 s5, $0x1;
	s5 =	sadd.s32 s21, s3  }
0x9d: {  	[timem:s7], [sflag:s22] =	dma.local [hbm:s5], s20  }
0x9e: {  	_ =	swait.ge [sflag:s22], s20  }
0x9f: {  	s4 =	ssub.s32 $0x0, s20;
	[sflag:s22] =	ssyncset.done $0x0  }
0xa0: {  	[sflag:s22] =	ssyncadd.s32 s4;
	_ =	sdelay $0x1  }
0xa1: {  	s23 =	simm.s32 $0x1B8B  }
0xa2: {  	_ =	swait.ge [sflag:s23], $0x1  }
0xa3: {  	[sflag:s23] =	ssyncset.done $0x0  }
0xa4: {  	s25 =	simm.s32 $0x1B8E;
	s24 =	sld [smem:$0x3FFE];
	[sflag:s23] =	ssyncadd.s32 $0xFFFFFFFF  }
0xa5: {  	s26 =	simm.s32 $execute0_lowered;
	[smem:$0x3FD2] =	sst s25  }
0xa6: {  	s5 =	sshll.u32 s26, $0x1;
	_ =	strace $0x8000004C;
	[dreg:$0x1] =	wrdreg $0xFFFFFFFF  }
0xa7: {  	s28 =	simm.s32 $_size_execute0_lowered;
	s3 =	sadd.s32 s3, s5;
	[dreg:$0x0] =	wrdreg $0x0  }
0xa8: {  	s5 =	sshll.u32 s28, $0x1;
	[dreg:$0x2] =	wrdreg s3  }
0xa9: {  	[dreg:$0x3] =	wrdreg s5  }
0xaa: {  	[dreg:$0x4] =	wrdreg $0xC0  }
0xab: {  	_ =	task [dreg:s7], $0x5FFFF  }
0xac: {  	[dreg:$0x1] =	wrdreg $0xFFFFFFFF  }
0xad: {  	[dreg:$0x0] =	wrdreg $0x60  }
0xae: {  	[dreg:$0x2] =	wrdreg s24  }
0xaf: {  	[dreg:$0x3] =	wrdreg s2  }
0xb0: {  	[dreg:$0x4] =	wrdreg $0x9  }
0xb1: {  	_ =	task.clear_ibuf [dreg:s7], $0x5FFFF;
	_ =	strace $0x9000004C  }
0xb2: {  	s29 =	simm.s32 $0x9;
	_ =	strace $0x8000004E  }
0xb3: {  	_ =	swait.ge [sflag:s29], $0x1  }
0xb4: {  	[sflag:s29] =	ssyncadd.s32 $0xFFFFFFFF  }
0xb5: {  	_ =	strace $0x9000004E  }
0xb6: {  	_ =	sfence  }
0xb7: {  	s30 =	sld [smem:$0x0];
	_ =	sdelay $0x2  }
0xb8: {  	s31 =	sshll.u32 s1, $0xD;
	s1 =	sshrl.u32 s1, $0x2  }
0xb9: {  	s3 =	sand.u32 $0x4000, s31;
	s1 =	sadd.s32 s1, s30  }
0xba: {  	s0 =	sor.u32 s3, s0;
	s1 =	sshll.u32 s1, $0x11  }
0xbb: {  	s0 =	sor.u32 s1, s0  }
0xbc: {  	s0 =	sadd.s32 $0x8F2B, s0  }
0xbd: {  	[sflag:s0] =	ssyncadd.remote.s32 $0x1  }
0xbe: {  	_ =	sfence.sel $0xFFFF  }
0xbf: {  	[dreg:$0x0] =	wrdreg $0xFFFFFFFF;
	(pc) =	sbr.abs _section_cstart, $3  }
0xc0: {  	[dreg:$0x1] =	wrdreg $0xFFFFFFFF  }
0xc1: {  	_ =	task.clear_ibuf [dreg:s7], $0x2FFFF;
	_ =	strace $0x9FFFFFFF  }
0xc2: {  	(tm) =	ssettm $0x7FFFFFFF  }
0xc3: {  	_ =	shalt  }
tec
execute0_lowered:
.L_overlay_start_1:
0x0: {  	(tag) =	ssettag $0x1  }
0x1: {  	s1 =	srdreg.scid  }
0x2: {  	s0 =	stileid.u32;
	s4 =	rddreg [dreg:$0x0]  }
0x3: {  	s7 =	rddreg [dreg:$0x1];
	s2 =	simm.s32 $0x0;
	s10 =	simm.s32 $0x2710  }
0x4: {  	s11 =	simm.s32 $0x4E20;
	s12 =	simm.s32 $0x7530;
	s13 =	simm.s32 $0x1  }
0x5: {  	s14 =	simm.s32 $0x2;
	s3 =	sand.u32 $0x1, s1;
	s30 =	sshll.u32 s0, $0x1  }
0x6: {  	s15 =	simm.s32 $0x9C40;
	s16 =	simm.s32 $0x0;
	s5 =	sor.u32 s3, s30  }
0x7: {  	[smem:$0x7FF] =	sst s2;
	s31 =	ssub.s32 $0x2, s3;
	s8 =	smul.u32 $0x4E2, s5  }
0x8: {  	s1 =	rddreg [dreg:$0x2];
	_ =	strace $0x8000004D;
	s9 =	sshrl.u32 s31, $0x1  }
0x9: {  	s3 =	sadd.s32 $0xC00, s4;
	s9 =	ssub.s32 s31, s9;
	s6 =	sadd.s32 s8, s4  }
0xa: {  	s4 =	sadd.s32 $0x600, s4;
	s7 =	sadd.s32 s7, s8;
	s8 =	smax.u32 s9, $0x1  }
0xb: {  	s9 =	simm.s32 $0x3;
	s5 =	sadd.s32 $0xA400, s6;
	s6 =	sadd.s32 $0x14200, s6  }
.LBB2_1:
0xc: {  	[tilespmem:s2], [sflag:$0x3] =	stream.linear.gather [hbm4b:s5+s2], $0x2710, $0x38;
	[tilespmem:$0xC350] =	vst v63  }
0xd: {  	_ =	swait.ge [sflag:s9], $0x2710  }
0xe: {  	[sflag:s9] =	ssyncset.done $0x0  }
0xf: {  	[sflag:s9] =	ssyncadd.s32 $0xFFFFD8F0  }
0x10: {  	[tilespmem:s10], [sflag:$0x3] =	stream.linear.gather [hbm4b:s6+s2], $0x2710, $0x38;
	[tilespmem:$0xC350] =	vst v63  }
0x11: {  	_ =	swait.ge [sflag:s9], $0x2710  }
0x12: {  	[sflag:s9] =	ssyncset.done $0x0  }
0x13: {  	[sflag:s9] =	ssyncadd.s32 $0xFFFFD8F0  }
0x14: {  	[tilespmem:s11], [sflag:$0x1] =	stream.indirect.gather [hbm4b:s3+s10], $0x1, s2, s10, $0xb8;
	[tilespmem:$0xC350] =	vst v63  }
0x15: {  	_ = 	snop  }
0x16: {  	[tilespmem:s12], [sflag:$0x2] =	stream.indirect.gather [hbm4b:s4+s10], $0x1, s2, s10, $0xb8;
	[tilespmem:$0xC350] =	vst v63  }
0x17: {  	_ =	swait.ge [sflag:s13], $0x2710  }
0x18: {  	[sflag:s13] =	ssyncset.done $0x0  }
0x19: {  	[sflag:s13] =	ssyncadd.s32 $0xFFFFD8F0  }
0x1a: {  	_ =	swait.ge [sflag:s14], $0x2710  }
0x1b: {  	[sflag:s14] =	ssyncset.done $0x0  }
0x1c: {  	s18 =	simm.s32 $0x0;
	[sflag:s14] =	ssyncadd.s32 $0xFFFFD8F0  }
0x1d: {  	v0 =	vld [tilespmem:s18+$0x4E20]  }
0x1e: {  	v1 =	vld [tilespmem:s18+$0x7530];
	_ =	sdelay $0x2  }
0x1f: {  	s17 =	simm.s32 $0x10  }
0x20: {  	v2 =	vld [tilespmem:s17+$0x4E20]  }
0x21: {  	v3 =	vld [tilespmem:s17+$0x7530];
	v0 =	vadd.f32 v1, v0;
	_ =	sdelay $0x1  }
0x22: {  	(erf) = vrcp.f32 v0;
	_ =	sdelay $0x2  }
0x23: {  	s19 =	simm.s32 $0x20;
	v1 =	vld [tilespmem:s18+$0x2710];
	v3 =	vadd.f32 v3, v2  }
0x24: {  	v2 =	vld [tilespmem:s19+$0x7530]  }
0x25: {  	v0 =	vld [tilespmem:s19+$0x4E20];
	(erf) = vrcp.f32 v3;
	_ =	sdelay $0x2  }
0x26: {  	s20 =	simm.s32 $0xC0  }
.LBB2_2:
0x27: {  	s21 =	sshra.s32 s20, $0x2;
	v3 =	vld [tilespmem:s17+$0x2710];
	v4 =	vpop (erf);
	p0 =	sne.s32 s20, $0x9C00  }
.Ltmp0:
0x28: {  	s20 =	sadd.s32 $0x40, s20;
	v5 =	vadd.f32 v2, v0;
	v0 =	vld [tilespmem:s21+$0x4E20];
	v1 =	vmul.f32 v4, v1;
	(pc) =	sbr.rel @p0 .LBB2_2-.Ltmp0, $4  }
0x29: {  	v2 =	vld [tilespmem:s21+$0x7530]  }
0x2a: {  	(erf) = vrcp.f32 v5;
	[tilespmem:s18+$0x9C40] =	vst v1;
	s18 =	smov.u32 s17;
	s17 =	smov.u32 s19;
	s19 =	smov.u32 s21  }
0x2b: {  	_ = 	snop  }
0x2c: {  	v1 =	vmov v3  }
0x2d: {  	_ = 	snop  }
0x2e: {  	v0 =	vadd.f32 v2, v0;
	_ =	sdelay $0x1  }
0x2f: {  	(erf) = vrcp.f32 v0  }
0x30: {  	v60 =	vpop (erf)  }
0x31: {  	v0 =	vmul.f32 v60, v1;
	_ =	sdelay $0x1  }
0x32: {  	v61 =	vld [tilespmem:s17+$0x2710];
	[tilespmem:s18+$0x9C40] =	vst v0  }
0x33: {  	v0 =	vld [tilespmem:s19+$0x2710];
	_ =	sdelay $0x2  }
0x34: {  	v62 =	vpop (erf)  }
0x35: {  	v1 =	vmul.f32 v62, v61;
	v63 =	vpop (erf)  }
0x36: {  	s16 =	sadd.s32 $0x1, s16;
	v0 =	vmul.f32 v63, v0  }
0x37: {  	p0 =	sne.s32 s16, s8;
	[tilespmem:s17+$0x9C40] =	vst v1  }
.Ltmp1:
0x38: {  	[tilespmem:s19+$0x9C40] =	vst v0;
	(pc) =	sbr.rel @p0 .LBB2_1-.Ltmp1, $4  }
0x39: {  	[hbm4b:s7+s2] =	stream.linear.scatter [tilespmem:s15], [sflag:$0x3], $0x2710, $0x38;
	[tilespmem:$0xC350] =	vst v63  }
0x3a: {  	_ =	swait.ge [sflag:s9], $0x2710  }
0x3b: {  	[sflag:s9] =	ssyncset.done $0x0  }
0x3c: {  	[sflag:s9] =	ssyncadd.s32 $0xFFFFD8F0  }
0x3d: {  	_ =	sfence.sel $0x180000  }
0x3e: {  	[bflag:$0x0] =	sbarrier.arrive $0xFFFF  }
0x3f: {  	p0 =	sne.s32 s0, $0x0;
	_ =	strace $0x9000004D  }
0x40: {  	s0 =	sadd.s32 @!p0 $0x100000, s1;
	[bflag:$0x2] =	sbarrier.arrive $0xFFFF  }
0x41: {  	[sflag:s0] =	ssyncadd.tile.s32 @!p0 $0x1;
	_ =	shalt  }
.Lfunc_end2:
_tile_overlayer_lowered:
.L_overlay_start_2:
0x42: {  	(tag) =	ssettag $0x2  }
0x43: {  	s0 =	rddreg [dreg:$0x0];
	s2 =	stileid.u32  }
0x44: {  	s1 =	rddreg [dreg:$0x1];
	p0 =	sne.s32 s2, $0x0  }
0x45: {  	s3 =	rddreg [dreg:$0x2];
	[bflag:$0x3] =	sbarrier.arrive $0xFFFF;
	s2 =	simm.s32 @!p0 $0x1C03  }
0x46: {  	[timem:s3], [sflag:s2] =	dma.local @!p0 [hbm:s0], s1  }
0x47: {  	s0 =	simm.s32 @!p0 $0x3  }
0x48: {  	_ =	swait.ge @!p0 [sflag:s0], s1  }
0x49: {  	s1 =	ssub.s32 @!p0 $0x0, s1;
	[sflag:s0] =	ssyncset.done @!p0 $0x0  }
0x4a: {  	[sflag:s0] =	ssyncadd.s32 @!p0 s1  }
0x4b: {  	[bflag:$0x3] =	sbarrier.arrive $0xFFFF  }
0x4c: {  	_ =	shalt  }

// kernel: kernel.7.cloned.1.call-start
scs
__scs_entry_jumppad:
0x0: {  	(pc) =	sbr.rel $0x88, $3  }
0x1: {  	(tag) =	ssettag $0x0;
	lr =	simm.s32 $0x1  }
0x2: {  	[smem:$0x3F9C] =	sst lr;
	_ =	strace $0xD0000000  }
0x3: {  	_ = 	snop  }
0x4: {  	_ = 	snop  }
0x5: {  	_ = 	snop  }
0x6: {  	_ = 	snop  }
0x7: {  	_ = 	snop  }
__scs_overlays_trampoline_lowered:
0x8: {  	[smem:$0x3FAB] =	sst s0  }
0x9: {  	[smem:$0x3FAC] =	sst s1  }
0xa: {  	[smem:$0x3FAD] =	sst s2  }
0xb: {  	[smem:$0x3FAE] =	sst s3  }
0xc: {  	[smem:$0x3FAF] =	sst s4  }
0xd: {  	[smem:$0x3FB0] =	sst s5  }
0xe: {  	[smem:$0x3FB1] =	sst s6  }
0xf: {  	[smem:$0x3FB2] =	sst s7  }
0x10: {  	[smem:$0x3FB3] =	sst s8  }
0x11: {  	[smem:$0x3FB4] =	sst s9;
	s0 =	simm.s32 @!p0 $0x0  }
0x12: {  	s1 =	sld [smem:$0x3F9A];
	s0 =	simm.s32 @p0 $0x1  }
0x13: {  	[smem:$0x3FB5] =	sst s0;
	s0 =	simm.s32 @!p1 $0x0  }
0x14: {  	s2 =	sld [smem:$0x3F99];
	s0 =	simm.s32 @p1 $0x1  }
0x15: {  	[smem:$0x3FB6] =	sst s0;
	s0 =	simm.s32 @!p2 $0x0  }
0x16: {  	s3 =	sld [smem:$0x3FDB];
	s0 =	simm.s32 @p2 $0x1  }
0x17: {  	s4 =	simm.s32 $0x1BF5;
	[smem:$0x3FB8] =	sst s0  }
0x18: {  	s0 =	sld [smem:$0x3F9B];
	_ =	swait.ge [sflag:s4], $0x0  }
0x19: {  	s7 =	sld [smem:$0x3F9C]  }
0x1a: {  	s8 =	sadd.s32 $0xFFFFE003, lr  }
0x1b: {  	s9 =	sadd.s32 $0xFFFFFEF7, lr;
	s5 =	simm.s32 $0xFFFFFFFF;
	p2 =	slt.u32 s8, $0xFFFFF086  }
0x1c: {  	p1 =	slt.u32 s9, $0xF7A;
	s5 =	simm.s32 @!p2 $0x0  }
0x1d: {  	s5 =	simm.s32 @p1 $0x1;
	p0 =	seq.s32 s7, s2  }
0x1e: {  	s7 =	smul.u32 @!p0 $0xF7A, s2;
	p2 =	seq.s32 @!p0 s5, $0x0  }
0x1f: {  	s9 =	smul.u32 $0xF7A, s1;
	s8 =	simm.s32 @!p0 $0x1BF5;
	p2 =	por !p2, p0  }
0x20: {  	[sflag:s8] =	ssyncset.s32 @!p0 $0xFFFFF086;
	s6 =	sadd.s32 @!p0 s3, s7;
	s7 =	simm.s32 @!p0 $0x108  }
0x21: {  	s3 =	sadd.s32 s3, s9;
	s6 =	sadd.s32 @!p0 $0x88, s6;
	s7 =	simm.s32 @p2 $0x1082  }
0x22: {  	[simem:s7], [sflag:s8] =	dma.local @!p0 [hbm:s6], $0xF7A  }
0x23: {  	s9 =	sor.u32 $0xD0000000, s2;
	s6 =	simm.s32 $0x108;
	_ =	swait.ge @!p0 [sflag:s8], $0x0  }
0x24: {  	s3 =	sadd.s32 $0x88, s3;
	s6 =	simm.s32 @!p1 $0x1082;
	[sflag:s4] =	ssyncset.s32 $0xFFFFF086  }
0x25: {  	[simem:s6], [sflag:s4] =	dma.local [hbm:s3], $0xF7A  }
0x26: {  	[smem:$0x3F9C] =	sst s1;
	(tag) =	ssettag s2;
	_ =	strace s9  }
0x27: {  	s1 =	sld [smem:$0x3FAC]  }
0x28: {  	s2 =	sld [smem:$0x3FAD]  }
0x29: {  	s4 =	sld [smem:$0x3FAF]  }
0x2a: {  	p0 =	seq.s32 s5, $0x0;
	s5 =	sld [smem:$0x3FB0]  }
0x2b: {  	s6 =	sld [smem:$0x3FB1]  }
0x2c: {  	s7 =	sld [smem:$0x3FB2]  }
0x2d: {  	s3 =	simm.s32 $0x108;
	s8 =	sld [smem:$0x3FB3]  }
0x2e: {  	s3 =	simm.s32 @!p0 $0x1082;
	s9 =	sld [smem:$0x3FB4]  }
0x2f: {  	lr =	sadd.s32 s0, s3;
	s0 =	sld [smem:$0x3FAB]  }
0x30: {  	s3 =	sld [smem:$0x3FAE]  }
0x31: {  	[smem:$0x3FB7] =	sst s10  }
0x32: {  	s10 =	sld [smem:$0x3FB5];
	_ =	sdelay $0x3  }
0x33: {  	p0 =	seq.s32 s10, $0x1;
	s10 =	sld [smem:$0x3FB7];
	_ =	sdelay $0x3  }
0x34: {  	[smem:$0x3FB7] =	sst s10  }
0x35: {  	s10 =	sld [smem:$0x3FB6];
	_ =	sdelay $0x3  }
0x36: {  	p1 =	seq.s32 s10, $0x1;
	s10 =	sld [smem:$0x3FB7];
	_ =	sdelay $0x3  }
0x37: {  	[smem:$0x3FB7] =	sst s10  }
0x38: {  	s10 =	sld [smem:$0x3FB8]  }
0x39: {  	_ = 	snop;
	(pc) =	sbr.ind lr, $3  }
0x3a: {  	_ = 	snop  }
0x3b: {  	_ = 	snop  }
0x3c: {  	p2 =	seq.s32 s10, $0x1;
	s10 =	sld [smem:$0x3FB7]  }
0x3d: {  	_ =	shalt  }
0x3e: {  	_ =	shalt  }
0x3f: {  	_ =	shalt  }
0x40: {  	_ =	shalt  }
0x41: {  	_ =	shalt  }
0x42: {  	_ =	shalt  }
0x43: {  	_ =	shalt  }
0x44: {  	_ =	shalt  }
0x45: {  	_ =	shalt  }
0x46: {  	_ =	shalt  }
0x47: {  	_ =	shalt  }
0x48: {  	_ =	shalt  }
0x49: {  	_ =	shalt  }
0x4a: {  	_ =	shalt  }
0x4b: {  	_ =	shalt  }
0x4c: {  	_ =	shalt  }
0x4d: {  	_ =	shalt  }
0x4e: {  	_ =	shalt  }
0x4f: {  	_ =	shalt  }
0x50: {  	_ =	shalt  }
0x51: {  	_ =	shalt  }
0x52: {  	_ =	shalt  }
0x53: {  	_ =	shalt  }
0x54: {  	_ =	shalt  }
0x55: {  	_ =	shalt  }
0x56: {  	_ =	shalt  }
0x57: {  	_ =	shalt  }
0x58: {  	_ =	shalt  }
0x59: {  	_ =	shalt  }
0x5a: {  	_ =	shalt  }
0x5b: {  	_ =	shalt  }
0x5c: {  	_ =	shalt  }
0x5d: {  	_ =	shalt  }
0x5e: {  	_ =	shalt  }
0x5f: {  	_ =	shalt  }
0x60: {  	_ =	shalt  }
0x61: {  	_ =	shalt  }
0x62: {  	_ =	shalt  }
0x63: {  	_ =	shalt  }
0x64: {  	_ =	shalt  }
0x65: {  	_ =	shalt  }
0x66: {  	_ =	shalt  }
0x67: {  	_ =	shalt  }
0x68: {  	_ =	shalt  }
0x69: {  	_ =	shalt  }
0x6a: {  	_ =	shalt  }
0x6b: {  	_ =	shalt  }
0x6c: {  	_ =	shalt  }
0x6d: {  	_ =	shalt  }
0x6e: {  	_ =	shalt  }
0x6f: {  	_ =	shalt  }
0x70: {  	_ =	shalt  }
0x71: {  	_ =	shalt  }
0x72: {  	_ =	shalt  }
0x73: {  	_ =	shalt  }
0x74: {  	_ =	shalt  }
0x75: {  	_ =	shalt  }
0x76: {  	_ =	shalt  }
0x77: {  	_ =	shalt  }
0x78: {  	_ =	shalt  }
0x79: {  	_ =	shalt  }
0x7a: {  	_ =	shalt  }
0x7b: {  	_ =	shalt  }
0x7c: {  	_ =	shalt  }
0x7d: {  	_ =	shalt  }
0x7e: {  	_ =	shalt  }
0x7f: {  	_ =	shalt  }
0x80: {  	_ =	shalt  }
0x81: {  	_ =	shalt  }
0x82: {  	_ =	shalt  }
0x83: {  	_ =	shalt  }
0x84: {  	_ =	shalt  }
0x85: {  	_ =	shalt  }
0x86: {  	_ =	shalt  }
0x87: {  	_ =	shalt  }
.Lfunc_end0:
.L_simem_size_0:
called_computation_lowered:
.L_overlay_start_0:
0x88: {  	s2 =	sld [smem:$0x3FD9]  }
0x89: {  	s3 =	sld [smem:$0x3FFE];
	_ =	sdelay $0x1  }
0x8a: {  	s1 =	srdreg.scid  }
0x8b: {  	s0 =	sand.u32 $0x1, s1  }
0x8c: {  	s17 =	sshll.u32 s0, $0xA;
	s2 =	sadd.s32 s3, s2  }
0x8d: {  	s2 =	sadd.s32 s2, s17  }
0x8e: {  	[smem:$0x3FC3] =	sst s2  }
0x8f: {  	_ = 	snop  }
0x90: {  	s2 =	sld [smem:$0x3FD0];
	(tm) =	ssettm $0x1  }
0x91: {  	s18 =	sld [smem:$0x3FFB];
	_ =	sdelay $0x3  }
0x92: {  	_ =	strace s18  }
0x93: {  	s3 =	sld [smem:$0x3FFC];
	_ =	sdelay $0x3  }
0x94: {  	_ =	strace s3  }
0x95: {  	s3 =	sld [smem:$0x3FFD];
	_ =	sdelay $0x3  }
0x96: {  	_ =	strace s3  }
0x97: {  	_ =	strace $0x8FFFFFFF  }
0x98: {  	s19 =	sld [smem:$0x3FDB];
	_ =	sdelay $0x1  }
0x99: {  	s4 =	simm.s32 $_scs_section_size  }
0x9a: {  	s5 =	simm.s32 $_size__tile_overlayer_lowered;
	s6 =	simm.s32 $_tile_overlayer_lowered  }
0x9b: {  	s22 =	simm.s32 $0x1BFF;
	s21 =	sshll.u32 s6, $0x1;
	s3 =	sadd.s32 s4, s19  }
0x9c: {  	s7 =	simm.s32 $0x0;
	s20 =	sshll.u32 s5, $0x1;
	s5 =	sadd.s32 s21, s3  }
0x9d: {  	[timem:s7], [sflag:s22] =	dma.local [hbm:s5], s20  }
0x9e: {  	_ =	swait.ge [sflag:s22], s20  }
0x9f: {  	s4 =	ssub.s32 $0x0, s20;
	[sflag:s22] =	ssyncset.done $0x0  }
0xa0: {  	[sflag:s22] =	ssyncadd.s32 s4;
	_ =	sdelay $0x1  }
0xa1: {  	s23 =	simm.s32 $0x1B8B  }
0xa2: {  	_ =	swait.ge [sflag:s23], $0x1  }
0xa3: {  	[sflag:s23] =	ssyncset.done $0x0  }
0xa4: {  	s25 =	simm.s32 $0x1B8E;
	s24 =	sld [smem:$0x3FFE];
	[sflag:s23] =	ssyncadd.s32 $0xFFFFFFFF  }
0xa5: {  	s26 =	simm.s32 $execute0_lowered;
	[smem:$0x3FD2] =	sst s25  }
0xa6: {  	s5 =	sshll.u32 s26, $0x1;
	_ =	strace $0x80000046;
	[dreg:$0x1] =	wrdreg $0xFFFFFFFF  }
0xa7: {  	s28 =	simm.s32 $_size_execute0_lowered;
	s3 =	sadd.s32 s3, s5;
	[dreg:$0x0] =	wrdreg $0x0  }
0xa8: {  	s5 =	sshll.u32 s28, $0x1;
	[dreg:$0x2] =	wrdreg s3  }
0xa9: {  	[dreg:$0x3] =	wrdreg s5  }
0xaa: {  	[dreg:$0x4] =	wrdreg $0xC0  }
0xab: {  	_ =	task [dreg:s7], $0x5FFFF  }
0xac: {  	[dreg:$0x1] =	wrdreg $0xFFFFFFFF  }
0xad: {  	[dreg:$0x0] =	wrdreg $0x60  }
0xae: {  	[dreg:$0x2] =	wrdreg s2  }
0xaf: {  	[dreg:$0x3] =	wrdreg s24  }
0xb0: {  	[dreg:$0x4] =	wrdreg $0x9  }
0xb1: {  	_ =	task.clear_ibuf [dreg:s7], $0x5FFFF;
	_ =	strace $0x90000046  }
0xb2: {  	s29 =	simm.s32 $0x9;
	_ =	strace $0x80000048  }
0xb3: {  	_ =	swait.ge [sflag:s29], $0x1  }
0xb4: {  	[sflag:s29] =	ssyncadd.s32 $0xFFFFFFFF  }
0xb5: {  	_ =	strace $0x90000048  }
0xb6: {  	_ =	sfence  }
0xb7: {  	s30 =	sld [smem:$0x0];
	_ =	sdelay $0x2  }
0xb8: {  	s31 =	sshll.u32 s1, $0xD;
	s1 =	sshrl.u32 s1, $0x2  }
0xb9: {  	s3 =	sand.u32 $0x4000, s31;
	s1 =	sadd.s32 s1, s30  }
0xba: {  	s0 =	sor.u32 s3, s0;
	s1 =	sshll.u32 s1, $0x11  }
0xbb: {  	s0 =	sor.u32 s1, s0  }
0xbc: {  	s0 =	sadd.s32 $0x8F2B, s0  }
0xbd: {  	[sflag:s0] =	ssyncadd.remote.s32 $0x1  }
0xbe: {  	_ =	sfence.sel $0xFFFF  }
0xbf: {  	[dreg:$0x0] =	wrdreg $0xFFFFFFFF;
	(pc) =	sbr.abs _section_cstart, $3  }
0xc0: {  	[dreg:$0x1] =	wrdreg $0xFFFFFFFF  }
0xc1: {  	_ =	task.clear_ibuf [dreg:s7], $0x2FFFF;
	_ =	strace $0x9FFFFFFF  }
0xc2: {  	(tm) =	ssettm $0x7FFFFFFF  }
0xc3: {  	_ =	shalt  }
tec
execute0_lowered:
.L_overlay_start_1:
0x0: {  	(tag) =	ssettag $0x1  }
0x1: {  	s0 =	srdreg.scid  }
0x2: {  	s1 =	stileid.u32;
	s3 =	rddreg [dreg:$0x0]  }
0x3: {  	s4 =	rddreg [dreg:$0x1];
	s2 =	simm.s32 $0x0;
	s31 =	simm.s32 $0x7  }
0x4: {  	s30 =	simm.s32 $0x2710;
	s9 =	simm.s32 $0x4E20;
	s13 =	simm.s32 $0x1  }
0x5: {  	s25 =	simm.s32 $0x2AF8;
	s12 =	simm.s32 $0x3;
	s26 =	simm.s32 $0x7D0  }
0x6: {  	s11 =	simm.s32 $0x2;
	s0 =	sand.u32 $0x1, s0;
	s1 =	sshll.u32 s1, $0x1  }
0x7: {  	s7 =	simm.s32 $0x5;
	s10 =	simm.s32 $0x4;
	s1 =	sor.u32 s0, s1  }
0x8: {  	s29 =	simm.s32 $0x2EE0;
	[smem:$0x7FF] =	sst s2;
	s5 =	smul.u32 $0x4E2, s1  }
0x9: {  	s8 =	simm.s32 $0x6;
	s28 =	simm.s32 $0xBB8;
	_ =	strace $0x80000047  }
0xa: {  	[dreg:$0xf] =	wrdreg s25;
	s1 =	smul.u32 $0x9C40, s1;
	s5 =	sadd.s32 s5, s4  }
0xb: {  	p0 =	por $0x0, $0x0;
	[dreg:$0x10] =	wrdreg s26;
	s6 =	sadd.s32 $0xA400, s5  }
0xc: {  	s1 =	sadd.s32 s1, s4;
	s5 =	sadd.s32 $0x600, s5;
	[dreg:$0x3] =	wrdreg s6  }
0xd: {  	s14 =	simm.s32 $0x4A38;
	s15 =	sadd.s32 $0x1E000, s1;
	[dreg:$0x4] =	wrdreg s5  }
0xe: {  	s0 =	ssub.s32 $0x2, s0;
	s16 =	sadd.s32 $0x1EFA0, s1;
	[dreg:$0x5] =	wrdreg s15  }
0xf: {  	s26 =	simm.s32 $0x32C8;
	s17 =	sadd.s32 $0x1FF40, s1;
	[dreg:$0x6] =	wrdreg s16  }
0x10: {  	s25 =	simm.s32 $0xFA0;
	s18 =	sadd.s32 $0x20EE0, s1;
	[dreg:$0x7] =	wrdreg s17  }
0x11: {  	s23 =	sshrl.u32 s0, $0x1;
	s19 =	sadd.s32 $0x21E80, s1;
	[dreg:$0x8] =	wrdreg s18  }
0x12: {  	s0 =	ssub.s32 s0, s23;
	s20 =	sadd.s32 $0x22E20, s1;
	[dreg:$0x9] =	wrdreg s19  }
0x13: {  	s23 =	simm.s32 $0x1388;
	s21 =	sadd.s32 $0x23DC0, s1;
	[dreg:$0xa] =	wrdreg s20  }
0x14: {  	s4 =	sadd.s32 $0x14200, s4;
	s22 =	sadd.s32 $0x24D60, s1;
	[dreg:$0xb] =	wrdreg s21  }
0x15: {  	s0 =	smax.u32 s0, $0x1;
	s24 =	sadd.s32 $0x25D00, s1;
	[dreg:$0xc] =	wrdreg s22  }
0x16: {  	s1 =	sadd.s32 $0x26CA0, s1;
	p1 =	sne.s32 s0, $0x1;
	[dreg:$0xd] =	wrdreg s24  }
.Ltmp0:
0x17: {  	[dreg:$0xe] =	wrdreg s1;
	s6 =	simm.s32 $0x3E8;
	(pc) =	sbr.rel @!p1 .LBB2_3-.Ltmp0, $4  }
0x18: {  	s5 =	simm.s32 $0xCB20;
	s24 =	simm.s32 $0x36B0;
	s22 =	simm.s32 $0x3A98  }
0x19: {  	s21 =	simm.s32 $0x1770;
	s19 =	simm.s32 $0x3E80;
	s1 =	sadd.s32 $0xFFFFFFFF, s0  }
0x1a: {  	s20 =	simm.s32 $0x1B58;
	s18 =	simm.s32 $0x4268;
	s17 =	simm.s32 $0x1F40  }
0x1b: {  	s16 =	simm.s32 $0x4650;
	s15 =	simm.s32 $0x2328;
	s0 =	rddreg [dreg:$0x3]  }
0x1c: {  	[tilespmem:s2], [sflag:$0x7] =	stream.linear.gather [hbm4b:s0+s2], $0x2710, $0x38;
	[tilespmem:$0x14820] =	vst v63  }
0x1d: {  	_ =	swait.ge [sflag:s31], $0x2710  }
0x1e: {  	[sflag:s31] =	ssyncset.done $0x0  }
0x1f: {  	s0 =	rddreg [dreg:$0x4];
	[sflag:s31] =	ssyncadd.s32 $0xFFFFD8F0  }
0x20: {  	[tilespmem:s30], [sflag:$0x7] =	stream.linear.gather [hbm4b:s0+s2], $0x2710, $0x38;
	[tilespmem:$0x14820] =	vst v63  }
0x21: {  	_ =	swait.ge [sflag:s31], $0x2710  }
0x22: {  	[sflag:s31] =	ssyncset.done $0x0  }
0x23: {  	[sflag:s31] =	ssyncadd.s32 $0xFFFFD8F0  }
0x24: {  	[tilespmem:s9], [sflag:$0x1] =	stream.indirect.gather [hbm4b:s3+s6], $0x20, s2, s6, $0xb8;
	[tilespmem:$0x14820] =	vst v63  }
0x25: {  	_ =	swait.ge [sflag:s13], $0x7D00  }
0x26: {  	[sflag:s13] =	ssyncset.done $0x0  }
0x27: {  	[sflag:s13] =	ssyncadd.s32 $0xFFFF8300  }
0x28: {  	[tilespmem:s9], [sflag:$0x3] =	stream.indirect.gather.add.f32 [hbm:s4], $0x20, s30, s6, $0xb8;
	[tilespmem:$0x14820] =	vst v63  }
0x29: {  	_ = 	snop  }
0x2a: {  	[tilespmem:s5], [sflag:$0x2] =	stream.indirect.gather [hbm4b:s3+s6], $0x20, s6, s6, $0xb8;
	[tilespmem:$0x14820] =	vst v63  }
0x2b: {  	_ =	swait.ge [sflag:s12], $0x7D00  }
0x2c: {  	[sflag:s12] =	ssyncset.done $0x0  }
0x2d: {  	s0 =	rddreg [dreg:$0x5];
	[sflag:s12] =	ssyncadd.s32 $0xFFFF8300  }
0x2e: {  	[hbm4b:s0+s2] =	stream.linear.scatter [tilespmem:s9], [sflag:$0x5], $0x7D00, $0x38;
	[tilespmem:$0x14820] =	vst v63  }
0x2f: {  	_ =	swait.ge [sflag:s11], $0x7D00  }
0x30: {  	[sflag:s11] =	ssyncset.done $0x0  }
0x31: {  	s0 =	rddreg [dreg:$0xf];
	[sflag:s11] =	ssyncadd.s32 $0xFFFF8300  }
0x32: {  	[tilespmem:s5], [sflag:$0x4] =	stream.indirect.gather.add.f32 [hbm:s4], $0x20, s0, s6, $0xb8;
	[tilespmem:$0x14820] =	vst v63  }
0x33: {  	_ =	swait.ge [sflag:s7], $0x7D00  }
0x34: {  	[sflag:s7] =	ssyncset.done $0x0  }
0x35: {  	s0 =	rddreg [dreg:$0x10];
	[sflag:s7] =	ssyncadd.s32 $0xFFFF8300  }
0x36: {  	[tilespmem:s9], [sflag:$0x1] =	stream.indirect.gather [hbm4b:s3+s6], $0x20, s0, s6, $0xb8;
	[tilespmem:$0x14820] =	vst v63  }
0x37: {  	_ =	swait.ge [sflag:s10], $0x7D00  }
0x38: {  	[sflag:s10] =	ssyncset.done $0x0  }
0x39: {  	s0 =	rddreg [dreg:$0x6];
	[sflag:s10] =	ssyncadd.s32 $0xFFFF8300  }
0x3a: {  	[hbm4b:s0+s2] =	stream.linear.scatter [tilespmem:s5], [sflag:$0x6], $0x7D00, $0x38;
	[tilespmem:$0x14820] =	vst v63  }
0x3b: {  	_ =	swait.ge [sflag:s13], $0x7D00  }
0x3c: {  	[sflag:s13] =	ssyncset.done $0x0  }
0x3d: {  	[sflag:s13] =	ssyncadd.s32 $0xFFFF8300  }
0x3e: {  	[tilespmem:s9], [sflag:$0x3] =	stream.indirect.gather.add.f32 [hbm:s4], $0x20, s29, s6, $0xb8;
	[tilespmem:$0x14820] =	vst v63  }
0x3f: {  	_ =	swait.ge [sflag:s8], $0x7D00  }
0x40: {  	[sflag:s8] =	ssyncset.done $0x0  }
0x41: {  	[sflag:s8] =	ssyncadd.s32 $0xFFFF8300  }
0x42: {  	[tilespmem:s5], [sflag:$0x2] =	stream.indirect.gather [hbm4b:s3+s6], $0x20, s28, s6, $0xb8;
	[tilespmem:$0x14820] =	vst v63  }
0x43: {  	_ =	swait.ge [sflag:s12], $0x7D00  }
0x44: {  	[sflag:s12] =	ssyncset.done $0x0  }
0x45: {  	s0 =	rddreg [dreg:$0x7];
	[sflag:s12] =	ssyncadd.s32 $0xFFFF8300  }
0x46: {  	[hbm4b:s0+s2] =	stream.linear.scatter [tilespmem:s9], [sflag:$0x5], $0x7D00, $0x38;
	[tilespmem:$0x14820] =	vst v63  }
0x47: {  	_ =	swait.ge [sflag:s11], $0x7D00  }
0x48: {  	[sflag:s11] =	ssyncset.done $0x0  }
0x49: {  	[sflag:s11] =	ssyncadd.s32 $0xFFFF8300  }
0x4a: {  	[tilespmem:s5], [sflag:$0x4] =	stream.indirect.gather.add.f32 [hbm:s4], $0x20, s26, s6, $0xb8;
	[tilespmem:$0x14820] =	vst v63  }
0x4b: {  	_ =	swait.ge [sflag:s7], $0x7D00  }
0x4c: {  	[sflag:s7] =	ssyncset.done $0x0  }
0x4d: {  	[sflag:s7] =	ssyncadd.s32 $0xFFFF8300  }
0x4e: {  	[tilespmem:s9], [sflag:$0x1] =	stream.indirect.gather [hbm4b:s3+s6], $0x20, s25, s6, $0xb8;
	[tilespmem:$0x14820] =	vst v63  }
0x4f: {  	_ =	swait.ge [sflag:s10], $0x7D00  }
0x50: {  	[sflag:s10] =	ssyncset.done $0x0  }
0x51: {  	s0 =	rddreg [dreg:$0x8];
	[sflag:s10] =	ssyncadd.s32 $0xFFFF8300  }
0x52: {  	[hbm4b:s0+s2] =	stream.linear.scatter [tilespmem:s5], [sflag:$0x6], $0x7D00, $0x38;
	[tilespmem:$0x14820] =	vst v63  }
0x53: {  	_ =	swait.ge [sflag:s13], $0x7D00  }
0x54: {  	[sflag:s13] =	ssyncset.done $0x0  }
0x55: {  	[sflag:s13] =	ssyncadd.s32 $0xFFFF8300  }
0x56: {  	[tilespmem:s9], [sflag:$0x3] =	stream.indirect.gather.add.f32 [hbm:s4], $0x20, s24, s6, $0xb8;
	[tilespmem:$0x14820] =	vst v63  }
0x57: {  	_ =	swait.ge [sflag:s8], $0x7D00  }
0x58: {  	[sflag:s8] =	ssyncset.done $0x0  }
0x59: {  	[sflag:s8] =	ssyncadd.s32 $0xFFFF8300  }
0x5a: {  	[tilespmem:s5], [sflag:$0x2] =	stream.indirect.gather [hbm4b:s3+s6], $0x20, s23, s6, $0xb8;
	[tilespmem:$0x14820] =	vst v63  }
0x5b: {  	_ =	swait.ge [sflag:s12], $0x7D00  }
0x5c: {  	[sflag:s12] =	ssyncset.done $0x0  }
0x5d: {  	s0 =	rddreg [dreg:$0x9];
	[sflag:s12] =	ssyncadd.s32 $0xFFFF8300  }
0x5e: {  	[hbm4b:s0+s2] =	stream.linear.scatter [tilespmem:s9], [sflag:$0x5], $0x7D00, $0x38;
	[tilespmem:$0x14820] =	vst v63  }
0x5f: {  	_ =	swait.ge [sflag:s11], $0x7D00  }
0x60: {  	[sflag:s11] =	ssyncset.done $0x0  }
0x61: {  	[sflag:s11] =	ssyncadd.s32 $0xFFFF8300  }
0x62: {  	[tilespmem:s5], [sflag:$0x4] =	stream.indirect.gather.add.f32 [hbm:s4], $0x20, s22, s6, $0xb8;
	[tilespmem:$0x14820] =	vst v63  }
0x63: {  	_ =	swait.ge [sflag:s7], $0x7D00  }
0x64: {  	[sflag:s7] =	ssyncset.done $0x0  }
0x65: {  	[sflag:s7] =	ssyncadd.s32 $0xFFFF8300  }
0x66: {  	[tilespmem:s9], [sflag:$0x1] =	stream.indirect.gather [hbm4b:s3+s6], $0x20, s21, s6, $0xb8;
	[tilespmem:$0x14820] =	vst v63  }
0x67: {  	_ =	swait.ge [sflag:s10], $0x7D00  }
0x68: {  	[sflag:s10] =	ssyncset.done $0x0  }
0x69: {  	s0 =	rddreg [dreg:$0xa];
	[sflag:s10] =	ssyncadd.s32 $0xFFFF8300  }
0x6a: {  	[hbm4b:s0+s2] =	stream.linear.scatter [tilespmem:s5], [sflag:$0x6], $0x7D00, $0x38;
	[tilespmem:$0x14820] =	vst v63  }
0x6b: {  	_ =	swait.ge [sflag:s13], $0x7D00  }
0x6c: {  	[sflag:s13] =	ssyncset.done $0x0  }
0x6d: {  	[sflag:s13] =	ssyncadd.s32 $0xFFFF8300  }
0x6e: {  	[tilespmem:s9], [sflag:$0x3] =	stream.indirect.gather.add.f32 [hbm:s4], $0x20, s19, s6, $0xb8;
	[tilespmem:$0x14820] =	vst v63  }
0x6f: {  	_ =	swait.ge [sflag:s8], $0x7D00  }
0x70: {  	[sflag:s8] =	ssyncset.done $0x0  }
0x71: {  	[sflag:s8] =	ssyncadd.s32 $0xFFFF8300  }
0x72: {  	[tilespmem:s5], [sflag:$0x2] =	stream.indirect.gather [hbm4b:s3+s6], $0x20, s20, s6, $0xb8;
	[tilespmem:$0x14820] =	vst v63  }
0x73: {  	_ =	swait.ge [sflag:s12], $0x7D00  }
0x74: {  	[sflag:s12] =	ssyncset.done $0x0  }
0x75: {  	s0 =	rddreg [dreg:$0xb];
	[sflag:s12] =	ssyncadd.s32 $0xFFFF8300  }
0x76: {  	[hbm4b:s0+s2] =	stream.linear.scatter [tilespmem:s9], [sflag:$0x5], $0x7D00, $0x38;
	[tilespmem:$0x14820] =	vst v63  }
0x77: {  	_ =	swait.ge [sflag:s11], $0x7D00  }
0x78: {  	[sflag:s11] =	ssyncset.done $0x0  }
0x79: {  	[sflag:s11] =	ssyncadd.s32 $0xFFFF8300  }
0x7a: {  	[tilespmem:s5], [sflag:$0x4] =	stream.indirect.gather.add.f32 [hbm:s4], $0x20, s18, s6, $0xb8;
	[tilespmem:$0x14820] =	vst v63  }
0x7b: {  	_ =	swait.ge [sflag:s7], $0x7D00  }
0x7c: {  	[sflag:s7] =	ssyncset.done $0x0  }
0x7d: {  	[sflag:s7] =	ssyncadd.s32 $0xFFFF8300  }
0x7e: {  	[tilespmem:s9], [sflag:$0x1] =	stream.indirect.gather [hbm4b:s3+s6], $0x20, s17, s6, $0xb8;
	[tilespmem:$0x14820] =	vst v63  }
0x7f: {  	_ =	swait.ge [sflag:s10], $0x7D00  }
0x80: {  	[sflag:s10] =	ssyncset.done $0x0  }
0x81: {  	s0 =	rddreg [dreg:$0xc];
	[sflag:s10] =	ssyncadd.s32 $0xFFFF8300  }
0x82: {  	[hbm4b:s0+s2] =	stream.linear.scatter [tilespmem:s5], [sflag:$0x6], $0x7D00, $0x38;
	[tilespmem:$0x14820] =	vst v63  }
0x83: {  	_ =	swait.ge [sflag:s13], $0x7D00  }
0x84: {  	[sflag:s13] =	ssyncset.done $0x0  }
0x85: {  	[sflag:s13] =	ssyncadd.s32 $0xFFFF8300  }
0x86: {  	[tilespmem:s9], [sflag:$0x3] =	stream.indirect.gather.add.f32 [hbm:s4], $0x20, s16, s6, $0xb8;
	[tilespmem:$0x14820] =	vst v63  }
0x87: {  	_ =	swait.ge [sflag:s8], $0x7D00  }
0x88: {  	[sflag:s8] =	ssyncset.done $0x0  }
0x89: {  	[sflag:s8] =	ssyncadd.s32 $0xFFFF8300  }
0x8a: {  	[tilespmem:s5], [sflag:$0x2] =	stream.indirect.gather [hbm4b:s3+s6], $0x20, s15, s6, $0xb8;
	[tilespmem:$0x14820] =	vst v63  }
0x8b: {  	_ =	swait.ge [sflag:s12], $0x7D00  }
0x8c: {  	[sflag:s12] =	ssyncset.done $0x0  }
0x8d: {  	s0 =	rddreg [dreg:$0xd];
	[sflag:s12] =	ssyncadd.s32 $0xFFFF8300  }
0x8e: {  	[hbm4b:s0+s2] =	stream.linear.scatter [tilespmem:s9], [sflag:$0x5], $0x7D00, $0x38;
	[tilespmem:$0x14820] =	vst v63  }
0x8f: {  	_ =	swait.ge [sflag:s11], $0x7D00  }
0x90: {  	[sflag:s11] =	ssyncset.done $0x0  }
0x91: {  	[sflag:s11] =	ssyncadd.s32 $0xFFFF8300  }
0x92: {  	[tilespmem:s5], [sflag:$0x4] =	stream.indirect.gather.add.f32 [hbm:s4], $0x20, s14, s6, $0xb8;
	[tilespmem:$0x14820] =	vst v63  }
0x93: {  	_ =	swait.ge [sflag:s10], $0x7D00  }
0x94: {  	[sflag:s10] =	ssyncset.done $0x0  }
0x95: {  	p1 =	sne.s32 s1, $0x1;
	s0 =	rddreg [dreg:$0xe];
	[sflag:s10] =	ssyncadd.s32 $0xFFFF8300  }
0x96: {  	[hbm4b:s0+s2] =	stream.linear.scatter [tilespmem:s5], [sflag:$0x6], $0x7D00, $0x38;
	[tilespmem:$0x14820] =	vst v63  }
.Ltmp1:
0x97: {  	_ =	swait.ge [sflag:s7], $0x7D00;
	(pc) =	sbr.rel @!p1 .LBB2_3-.Ltmp1, $4  }
0x98: {  	[sflag:s7] =	ssyncset.done $0x0  }
0x99: {  	[sflag:s7] =	ssyncadd.s32 $0xFFFF8300  }
0x9a: {  	s1 =	sadd.s32 $0xFFFFFFFF, s1;
	_ =	swait.ge [sflag:s8], $0x7D00  }
0x9b: {  	p0 =	por $0x1, $0x1;
	s0 =	rddreg [dreg:$0x3];
	[sflag:s8] =	ssyncset.done $0x0  }
.LBB2_2:
0x9c: {  	[sflag:s8] =	ssyncadd.s32 $0xFFFF8300  }
0x9d: {  	[tilespmem:s2], [sflag:$0x7] =	stream.linear.gather [hbm4b:s0+s2], $0x2710, $0x38;
	[tilespmem:$0x14820] =	vst v63  }
0x9e: {  	_ =	swait.ge [sflag:s31], $0x2710  }
0x9f: {  	[sflag:s31] =	ssyncset.done $0x0  }
0xa0: {  	s0 =	rddreg [dreg:$0x4];
	[sflag:s31] =	ssyncadd.s32 $0xFFFFD8F0  }
0xa1: {  	[tilespmem:s30], [sflag:$0x7] =	stream.linear.gather [hbm4b:s0+s2], $0x2710, $0x38;
	[tilespmem:$0x14820] =	vst v63  }
0xa2: {  	_ =	swait.ge [sflag:s31], $0x2710  }
0xa3: {  	[sflag:s31] =	ssyncset.done $0x0  }
0xa4: {  	[sflag:s31] =	ssyncadd.s32 $0xFFFFD8F0  }
0xa5: {  	[tilespmem:s9], [sflag:$0x1] =	stream.indirect.gather [hbm4b:s3+s6], $0x20, s2, s6, $0xb8;
	[tilespmem:$0x14820] =	vst v63  }
0xa6: {  	_ =	swait.ge [sflag:s13], $0x7D00  }
0xa7: {  	[sflag:s13] =	ssyncset.done $0x0  }
0xa8: {  	[sflag:s13] =	ssyncadd.s32 $0xFFFF8300  }
0xa9: {  	[tilespmem:s9], [sflag:$0x3] =	stream.indirect.gather.add.f32 [hbm:s4], $0x20, s30, s6, $0xb8;
	[tilespmem:$0x14820] =	vst v63  }
0xaa: {  	_ = 	snop  }
0xab: {  	[tilespmem:s5], [sflag:$0x2] =	stream.indirect.gather [hbm4b:s3+s6], $0x20, s6, s6, $0xb8;
	[tilespmem:$0x14820] =	vst v63  }
0xac: {  	_ =	swait.ge [sflag:s12], $0x7D00  }
0xad: {  	[sflag:s12] =	ssyncset.done $0x0  }
0xae: {  	s0 =	rddreg [dreg:$0x5];
	[sflag:s12] =	ssyncadd.s32 $0xFFFF8300  }
0xaf: {  	[hbm4b:s0+s2] =	stream.linear.scatter [tilespmem:s9], [sflag:$0x5], $0x7D00, $0x38;
	[tilespmem:$0x14820] =	vst v63  }
0xb0: {  	_ =	swait.ge [sflag:s11], $0x7D00  }
0xb1: {  	[sflag:s11] =	ssyncset.done $0x0  }
0xb2: {  	s0 =	rddreg [dreg:$0xf];
	[sflag:s11] =	ssyncadd.s32 $0xFFFF8300  }
0xb3: {  	[tilespmem:s5], [sflag:$0x4] =	stream.indirect.gather.add.f32 [hbm:s4], $0x20, s0, s6, $0xb8;
	[tilespmem:$0x14820] =	vst v63  }
0xb4: {  	_ =	swait.ge [sflag:s7], $0x7D00  }
0xb5: {  	[sflag:s7] =	ssyncset.done $0x0  }
0xb6: {  	s0 =	rddreg [dreg:$0x10];
	[sflag:s7] =	ssyncadd.s32 $0xFFFF8300  }
0xb7: {  	[tilespmem:s9], [sflag:$0x1] =	stream.indirect.gather [hbm4b:s3+s6], $0x20, s0, s6, $0xb8;
	[tilespmem:$0x14820] =	vst v63  }
0xb8: {  	_ =	swait.ge [sflag:s10], $0x7D00  }
0xb9: {  	[sflag:s10] =	ssyncset.done $0x0  }
0xba: {  	s0 =	rddreg [dreg:$0x6];
	[sflag:s10] =	ssyncadd.s32 $0xFFFF8300  }
0xbb: {  	[hbm4b:s0+s2] =	stream.linear.scatter [tilespmem:s5], [sflag:$0x6], $0x7D00, $0x38;
	[tilespmem:$0x14820] =	vst v63  }
0xbc: {  	_ =	swait.ge [sflag:s13], $0x7D00  }
0xbd: {  	[sflag:s13] =	ssyncset.done $0x0  }
0xbe: {  	[sflag:s13] =	ssyncadd.s32 $0xFFFF8300  }
0xbf: {  	[tilespmem:s9], [sflag:$0x3] =	stream.indirect.gather.add.f32 [hbm:s4], $0x20, s29, s6, $0xb8;
	[tilespmem:$0x14820] =	vst v63  }
0xc0: {  	_ =	swait.ge [sflag:s8], $0x7D00  }
0xc1: {  	[sflag:s8] =	ssyncset.done $0x0  }
0xc2: {  	[sflag:s8] =	ssyncadd.s32 $0xFFFF8300  }
0xc3: {  	[tilespmem:s5], [sflag:$0x2] =	stream.indirect.gather [hbm4b:s3+s6], $0x20, s28, s6, $0xb8;
	[tilespmem:$0x14820] =	vst v63  }
0xc4: {  	_ =	swait.ge [sflag:s12], $0x7D00  }
0xc5: {  	[sflag:s12] =	ssyncset.done $0x0  }
0xc6: {  	s0 =	rddreg [dreg:$0x7];
	[sflag:s12] =	ssyncadd.s32 $0xFFFF8300  }
0xc7: {  	[hbm4b:s0+s2] =	stream.linear.scatter [tilespmem:s9], [sflag:$0x5], $0x7D00, $0x38;
	[tilespmem:$0x14820] =	vst v63  }
0xc8: {  	_ =	swait.ge [sflag:s11], $0x7D00  }
0xc9: {  	[sflag:s11] =	ssyncset.done $0x0  }
0xca: {  	[sflag:s11] =	ssyncadd.s32 $0xFFFF8300  }
0xcb: {  	[tilespmem:s5], [sflag:$0x4] =	stream.indirect.gather.add.f32 [hbm:s4], $0x20, s26, s6, $0xb8;
	[tilespmem:$0x14820] =	vst v63  }
0xcc: {  	_ =	swait.ge [sflag:s7], $0x7D00  }
0xcd: {  	[sflag:s7] =	ssyncset.done $0x0  }
0xce: {  	[sflag:s7] =	ssyncadd.s32 $0xFFFF8300  }
0xcf: {  	[tilespmem:s9], [sflag:$0x1] =	stream.indirect.gather [hbm4b:s3+s6], $0x20, s25, s6, $0xb8;
	[tilespmem:$0x14820] =	vst v63  }
0xd0: {  	_ =	swait.ge [sflag:s10], $0x7D00  }
0xd1: {  	[sflag:s10] =	ssyncset.done $0x0  }
0xd2: {  	s0 =	rddreg [dreg:$0x8];
	[sflag:s10] =	ssyncadd.s32 $0xFFFF8300  }
0xd3: {  	[hbm4b:s0+s2] =	stream.linear.scatter [tilespmem:s5], [sflag:$0x6], $0x7D00, $0x38;
	[tilespmem:$0x14820] =	vst v63  }
0xd4: {  	_ =	swait.ge [sflag:s13], $0x7D00  }
0xd5: {  	[sflag:s13] =	ssyncset.done $0x0  }
0xd6: {  	[sflag:s13] =	ssyncadd.s32 $0xFFFF8300  }
0xd7: {  	[tilespmem:s9], [sflag:$0x3] =	stream.indirect.gather.add.f32 [hbm:s4], $0x20, s24, s6, $0xb8;
	[tilespmem:$0x14820] =	vst v63  }
0xd8: {  	_ =	swait.ge [sflag:s8], $0x7D00  }
0xd9: {  	[sflag:s8] =	ssyncset.done $0x0  }
0xda: {  	[sflag:s8] =	ssyncadd.s32 $0xFFFF8300  }
0xdb: {  	[tilespmem:s5], [sflag:$0x2] =	stream.indirect.gather [hbm4b:s3+s6], $0x20, s23, s6, $0xb8;
	[tilespmem:$0x14820] =	vst v63  }
0xdc: {  	_ =	swait.ge [sflag:s12], $0x7D00  }
0xdd: {  	[sflag:s12] =	ssyncset.done $0x0  }
0xde: {  	s0 =	rddreg [dreg:$0x9];
	[sflag:s12] =	ssyncadd.s32 $0xFFFF8300  }
0xdf: {  	[hbm4b:s0+s2] =	stream.linear.scatter [tilespmem:s9], [sflag:$0x5], $0x7D00, $0x38;
	[tilespmem:$0x14820] =	vst v63  }
0xe0: {  	_ =	swait.ge [sflag:s11], $0x7D00  }
0xe1: {  	[sflag:s11] =	ssyncset.done $0x0  }
0xe2: {  	[sflag:s11] =	ssyncadd.s32 $0xFFFF8300  }
0xe3: {  	[tilespmem:s5], [sflag:$0x4] =	stream.indirect.gather.add.f32 [hbm:s4], $0x20, s22, s6, $0xb8;
	[tilespmem:$0x14820] =	vst v63  }
0xe4: {  	_ =	swait.ge [sflag:s7], $0x7D00  }
0xe5: {  	[sflag:s7] =	ssyncset.done $0x0  }
0xe6: {  	[sflag:s7] =	ssyncadd.s32 $0xFFFF8300  }
0xe7: {  	[tilespmem:s9], [sflag:$0x1] =	stream.indirect.gather [hbm4b:s3+s6], $0x20, s21, s6, $0xb8;
	[tilespmem:$0x14820] =	vst v63  }
0xe8: {  	_ =	swait.ge [sflag:s10], $0x7D00  }
0xe9: {  	[sflag:s10] =	ssyncset.done $0x0  }
0xea: {  	s0 =	rddreg [dreg:$0xa];
	[sflag:s10] =	ssyncadd.s32 $0xFFFF8300  }
0xeb: {  	[hbm4b:s0+s2] =	stream.linear.scatter [tilespmem:s5], [sflag:$0x6], $0x7D00, $0x38;
	[tilespmem:$0x14820] =	vst v63  }
0xec: {  	_ =	swait.ge [sflag:s13], $0x7D00  }
0xed: {  	[sflag:s13] =	ssyncset.done $0x0  }
0xee: {  	[sflag:s13] =	ssyncadd.s32 $0xFFFF8300  }
0xef: {  	[tilespmem:s9], [sflag:$0x3] =	stream.indirect.gather.add.f32 [hbm:s4], $0x20, s19, s6, $0xb8;
	[tilespmem:$0x14820] =	vst v63  }
0xf0: {  	_ =	swait.ge [sflag:s8], $0x7D00  }
0xf1: {  	[sflag:s8] =	ssyncset.done $0x0  }
0xf2: {  	[sflag:s8] =	ssyncadd.s32 $0xFFFF8300  }
0xf3: {  	[tilespmem:s5], [sflag:$0x2] =	stream.indirect.gather [hbm4b:s3+s6], $0x20, s20, s6, $0xb8;
	[tilespmem:$0x14820] =	vst v63  }
0xf4: {  	_ =	swait.ge [sflag:s12], $0x7D00  }
0xf5: {  	[sflag:s12] =	ssyncset.done $0x0  }
0xf6: {  	s0 =	rddreg [dreg:$0xb];
	[sflag:s12] =	ssyncadd.s32 $0xFFFF8300  }
0xf7: {  	[hbm4b:s0+s2] =	stream.linear.scatter [tilespmem:s9], [sflag:$0x5], $0x7D00, $0x38;
	[tilespmem:$0x14820] =	vst v63  }
0xf8: {  	_ =	swait.ge [sflag:s11], $0x7D00  }
0xf9: {  	[sflag:s11] =	ssyncset.done $0x0  }
0xfa: {  	[sflag:s11] =	ssyncadd.s32 $0xFFFF8300  }
0xfb: {  	[tilespmem:s5], [sflag:$0x4] =	stream.indirect.gather.add.f32 [hbm:s4], $0x20, s18, s6, $0xb8;
	[tilespmem:$0x14820] =	vst v63  }
0xfc: {  	_ =	swait.ge [sflag:s7], $0x7D00  }
0xfd: {  	[sflag:s7] =	ssyncset.done $0x0  }
0xfe: {  	[sflag:s7] =	ssyncadd.s32 $0xFFFF8300  }
0xff: {  	[tilespmem:s9], [sflag:$0x1] =	stream.indirect.gather [hbm4b:s3+s6], $0x20, s17, s6, $0xb8;
	[tilespmem:$0x14820] =	vst v63  }
0x100: {  	_ =	swait.ge [sflag:s10], $0x7D00  }
0x101: {  	[sflag:s10] =	ssyncset.done $0x0  }
0x102: {  	s0 =	rddreg [dreg:$0xc];
	[sflag:s10] =	ssyncadd.s32 $0xFFFF8300  }
0x103: {  	[hbm4b:s0+s2] =	stream.linear.scatter [tilespmem:s5], [sflag:$0x6], $0x7D00, $0x38;
	[tilespmem:$0x14820] =	vst v63  }
0x104: {  	_ =	swait.ge [sflag:s13], $0x7D00  }
0x105: {  	[sflag:s13] =	ssyncset.done $0x0  }
0x106: {  	[sflag:s13] =	ssyncadd.s32 $0xFFFF8300  }
0x107: {  	[tilespmem:s9], [sflag:$0x3] =	stream.indirect.gather.add.f32 [hbm:s4], $0x20, s16, s6, $0xb8;
	[tilespmem:$0x14820] =	vst v63  }
0x108: {  	_ =	swait.ge [sflag:s8], $0x7D00  }
0x109: {  	[sflag:s8] =	ssyncset.done $0x0  }
0x10a: {  	[sflag:s8] =	ssyncadd.s32 $0xFFFF8300  }
0x10b: {  	[tilespmem:s5], [sflag:$0x2] =	stream.indirect.gather [hbm4b:s3+s6], $0x20, s15, s6, $0xb8;
	[tilespmem:$0x14820] =	vst v63  }
0x10c: {  	_ =	swait.ge [sflag:s12], $0x7D00  }
0x10d: {  	[sflag:s12] =	ssyncset.done $0x0  }
0x10e: {  	s0 =	rddreg [dreg:$0xd];
	[sflag:s12] =	ssyncadd.s32 $0xFFFF8300  }
0x10f: {  	[hbm4b:s0+s2] =	stream.linear.scatter [tilespmem:s9], [sflag:$0x5], $0x7D00, $0x38;
	[tilespmem:$0x14820] =	vst v63  }
0x110: {  	_ =	swait.ge [sflag:s11], $0x7D00  }
0x111: {  	[sflag:s11] =	ssyncset.done $0x0  }
0x112: {  	[sflag:s11] =	ssyncadd.s32 $0xFFFF8300  }
0x113: {  	[tilespmem:s5], [sflag:$0x4] =	stream.indirect.gather.add.f32 [hbm:s4], $0x20, s14, s6, $0xb8;
	[tilespmem:$0x14820] =	vst v63  }
0x114: {  	_ =	swait.ge [sflag:s10], $0x7D00  }
0x115: {  	[sflag:s10] =	ssyncset.done $0x0  }
0x116: {  	p1 =	sne.s32 s1, $0x1;
	s0 =	rddreg [dreg:$0xe];
	[sflag:s10] =	ssyncadd.s32 $0xFFFF8300  }
0x117: {  	[hbm4b:s0+s2] =	stream.linear.scatter [tilespmem:s5], [sflag:$0x6], $0x7D00, $0x38;
	[tilespmem:$0x14820] =	vst v63  }
.Ltmp2:
0x118: {  	_ =	swait.ge [sflag:s7], $0x7D00;
	(pc) =	sbr.rel @p1 .LBB2_2-.Ltmp2, $4  }
0x119: {  	[sflag:s7] =	ssyncset.done $0x0  }
0x11a: {  	[sflag:s7] =	ssyncadd.s32 $0xFFFF8300  }
0x11b: {  	_ =	swait.ge [sflag:s8], $0x7D00  }
0x11c: {  	s1 =	sadd.s32 $0xFFFFFFFF, s1;
	s0 =	rddreg [dreg:$0x3];
	[sflag:s8] =	ssyncset.done $0x0  }
.LBB2_3:
0x11d: {  	[sflag:s8] =	ssyncadd.s32 @p0 $0xFFFF8300  }
0x11e: {  	[tilespmem:s2], [sflag:$0x7] =	stream.linear.gather [hbm4b:s0+s2], $0x2710, $0x38;
	[tilespmem:$0x14820] =	vst v63  }
0x11f: {  	_ =	swait.ge [sflag:s31], $0x2710  }
0x120: {  	[sflag:s31] =	ssyncset.done $0x0  }
0x121: {  	s1 =	rddreg [dreg:$0x4];
	[sflag:s31] =	ssyncadd.s32 $0xFFFFD8F0  }
0x122: {  	[tilespmem:s30], [sflag:$0x7] =	stream.linear.gather [hbm4b:s1+s2], $0x2710, $0x38;
	[tilespmem:$0x14820] =	vst v63  }
0x123: {  	_ =	swait.ge [sflag:s31], $0x2710  }
0x124: {  	[sflag:s31] =	ssyncset.done $0x0  }
0x125: {  	[sflag:s31] =	ssyncadd.s32 $0xFFFFD8F0  }
0x126: {  	[tilespmem:s9], [sflag:$0x1] =	stream.indirect.gather [hbm4b:s3+s6], $0x20, s2, s6, $0xb8;
	[tilespmem:$0x14820] =	vst v63  }
0x127: {  	_ =	swait.ge [sflag:s13], $0x7D00  }
0x128: {  	[sflag:s13] =	ssyncset.done $0x0  }
0x129: {  	[sflag:s13] =	ssyncadd.s32 $0xFFFF8300  }
0x12a: {  	[tilespmem:s9], [sflag:$0x3] =	stream.indirect.gather.add.f32 [hbm:s4], $0x20, s30, s6, $0xb8;
	[tilespmem:$0x14820] =	vst v63  }
0x12b: {  	_ = 	snop  }
0x12c: {  	[tilespmem:s5], [sflag:$0x2] =	stream.indirect.gather [hbm4b:s3+s6], $0x20, s6, s6, $0xb8;
	[tilespmem:$0x14820] =	vst v63  }
0x12d: {  	_ =	swait.ge [sflag:s12], $0x7D00  }
0x12e: {  	[sflag:s12] =	ssyncset.done $0x0  }
0x12f: {  	s30 =	rddreg [dreg:$0x5];
	[sflag:s12] =	ssyncadd.s32 $0xFFFF8300  }
0x130: {  	[hbm4b:s30+s2] =	stream.linear.scatter [tilespmem:s9], [sflag:$0x5], $0x7D00, $0x38;
	[tilespmem:$0x14820] =	vst v63  }
0x131: {  	_ =	swait.ge [sflag:s11], $0x7D00  }
0x132: {  	[sflag:s11] =	ssyncset.done $0x0  }
0x133: {  	s31 =	rddreg [dreg:$0xf];
	[sflag:s11] =	ssyncadd.s32 $0xFFFF8300  }
0x134: {  	[tilespmem:s5], [sflag:$0x4] =	stream.indirect.gather.add.f32 [hbm:s4], $0x20, s31, s6, $0xb8;
	[tilespmem:$0x14820] =	vst v63  }
0x135: {  	_ =	swait.ge [sflag:s7], $0x7D00  }
0x136: {  	[sflag:s7] =	ssyncset.done $0x0  }
0x137: {  	s1 =	rddreg [dreg:$0x10];
	[sflag:s7] =	ssyncadd.s32 $0xFFFF8300  }
0x138: {  	[tilespmem:s9], [sflag:$0x1] =	stream.indirect.gather [hbm4b:s3+s6], $0x20, s1, s6, $0xb8;
	[tilespmem:$0x14820] =	vst v63  }
0x139: {  	_ =	swait.ge [sflag:s10], $0x7D00  }
0x13a: {  	[sflag:s10] =	ssyncset.done $0x0  }
0x13b: {  	s30 =	rddreg [dreg:$0x6];
	[sflag:s10] =	ssyncadd.s32 $0xFFFF8300  }
0x13c: {  	[hbm4b:s30+s2] =	stream.linear.scatter [tilespmem:s5], [sflag:$0x6], $0x7D00, $0x38;
	[tilespmem:$0x14820] =	vst v63  }
0x13d: {  	_ =	swait.ge [sflag:s13], $0x7D00  }
0x13e: {  	[sflag:s13] =	ssyncset.done $0x0  }
0x13f: {  	[sflag:s13] =	ssyncadd.s32 $0xFFFF8300  }
0x140: {  	[tilespmem:s9], [sflag:$0x3] =	stream.indirect.gather.add.f32 [hbm:s4], $0x20, s29, s6, $0xb8;
	[tilespmem:$0x14820] =	vst v63  }
0x141: {  	_ =	swait.ge [sflag:s8], $0x7D00  }
0x142: {  	[sflag:s8] =	ssyncset.done $0x0  }
0x143: {  	[sflag:s8] =	ssyncadd.s32 $0xFFFF8300  }
0x144: {  	[tilespmem:s5], [sflag:$0x2] =	stream.indirect.gather [hbm4b:s3+s6], $0x20, s28, s6, $0xb8;
	[tilespmem:$0x14820] =	vst v63  }
0x145: {  	_ =	swait.ge [sflag:s12], $0x7D00  }
0x146: {  	[sflag:s12] =	ssyncset.done $0x0  }
0x147: {  	s31 =	rddreg [dreg:$0x7];
	[sflag:s12] =	ssyncadd.s32 $0xFFFF8300  }
0x148: {  	[hbm4b:s31+s2] =	stream.linear.scatter [tilespmem:s9], [sflag:$0x5], $0x7D00, $0x38;
	[tilespmem:$0x14820] =	vst v63  }
0x149: {  	_ =	swait.ge [sflag:s11], $0x7D00  }
0x14a: {  	[sflag:s11] =	ssyncset.done $0x0  }
0x14b: {  	[sflag:s11] =	ssyncadd.s32 $0xFFFF8300  }
0x14c: {  	[tilespmem:s5], [sflag:$0x4] =	stream.indirect.gather.add.f32 [hbm:s4], $0x20, s26, s6, $0xb8;
	[tilespmem:$0x14820] =	vst v63  }
0x14d: {  	_ =	swait.ge [sflag:s7], $0x7D00  }
0x14e: {  	[sflag:s7] =	ssyncset.done $0x0  }
0x14f: {  	[sflag:s7] =	ssyncadd.s32 $0xFFFF8300  }
0x150: {  	[tilespmem:s9], [sflag:$0x1] =	stream.indirect.gather [hbm4b:s3+s6], $0x20, s25, s6, $0xb8;
	[tilespmem:$0x14820] =	vst v63  }
0x151: {  	_ =	swait.ge [sflag:s10], $0x7D00  }
0x152: {  	[sflag:s10] =	ssyncset.done $0x0  }
0x153: {  	s1 =	rddreg [dreg:$0x8];
	[sflag:s10] =	ssyncadd.s32 $0xFFFF8300  }
0x154: {  	[hbm4b:s1+s2] =	stream.linear.scatter [tilespmem:s5], [sflag:$0x6], $0x7D00, $0x38;
	[tilespmem:$0x14820] =	vst v63  }
0x155: {  	_ =	swait.ge [sflag:s13], $0x7D00  }
0x156: {  	[sflag:s13] =	ssyncset.done $0x0  }
0x157: {  	[sflag:s13] =	ssyncadd.s32 $0xFFFF8300  }
0x158: {  	[tilespmem:s9], [sflag:$0x3] =	stream.indirect.gather.add.f32 [hbm:s4], $0x20, s24, s6, $0xb8;
	[tilespmem:$0x14820] =	vst v63  }
0x159: {  	_ =	swait.ge [sflag:s8], $0x7D00  }
0x15a: {  	[sflag:s8] =	ssyncset.done $0x0  }
0x15b: {  	[sflag:s8] =	ssyncadd.s32 $0xFFFF8300  }
0x15c: {  	[tilespmem:s5], [sflag:$0x2] =	stream.indirect.gather [hbm4b:s3+s6], $0x20, s23, s6, $0xb8;
	[tilespmem:$0x14820] =	vst v63  }
0x15d: {  	_ =	swait.ge [sflag:s12], $0x7D00  }
0x15e: {  	[sflag:s12] =	ssyncset.done $0x0  }
0x15f: {  	s24 =	rddreg [dreg:$0x9];
	[sflag:s12] =	ssyncadd.s32 $0xFFFF8300  }
0x160: {  	[hbm4b:s24+s2] =	stream.linear.scatter [tilespmem:s9], [sflag:$0x5], $0x7D00, $0x38;
	[tilespmem:$0x14820] =	vst v63  }
0x161: {  	_ =	swait.ge [sflag:s11], $0x7D00  }
0x162: {  	[sflag:s11] =	ssyncset.done $0x0  }
0x163: {  	[sflag:s11] =	ssyncadd.s32 $0xFFFF8300  }
0x164: {  	[tilespmem:s5], [sflag:$0x4] =	stream.indirect.gather.add.f32 [hbm:s4], $0x20, s22, s6, $0xb8;
	[tilespmem:$0x14820] =	vst v63  }
0x165: {  	_ =	swait.ge [sflag:s7], $0x7D00  }
0x166: {  	[sflag:s7] =	ssyncset.done $0x0  }
0x167: {  	[sflag:s7] =	ssyncadd.s32 $0xFFFF8300  }
0x168: {  	[tilespmem:s9], [sflag:$0x1] =	stream.indirect.gather [hbm4b:s3+s6], $0x20, s21, s6, $0xb8;
	[tilespmem:$0x14820] =	vst v63  }
0x169: {  	_ =	swait.ge [sflag:s10], $0x7D00  }
0x16a: {  	[sflag:s10] =	ssyncset.done $0x0  }
0x16b: {  	s25 =	rddreg [dreg:$0xa];
	[sflag:s10] =	ssyncadd.s32 $0xFFFF8300  }
0x16c: {  	[hbm4b:s25+s2] =	stream.linear.scatter [tilespmem:s5], [sflag:$0x6], $0x7D00, $0x38;
	[tilespmem:$0x14820] =	vst v63  }
0x16d: {  	_ =	swait.ge [sflag:s13], $0x7D00  }
0x16e: {  	[sflag:s13] =	ssyncset.done $0x0  }
0x16f: {  	[sflag:s13] =	ssyncadd.s32 $0xFFFF8300  }
0x170: {  	[tilespmem:s9], [sflag:$0x3] =	stream.indirect.gather.add.f32 [hbm:s4], $0x20, s19, s6, $0xb8;
	[tilespmem:$0x14820] =	vst v63  }
0x171: {  	_ =	swait.ge [sflag:s8], $0x7D00  }
0x172: {  	[sflag:s8] =	ssyncset.done $0x0  }
0x173: {  	[sflag:s8] =	ssyncadd.s32 $0xFFFF8300  }
0x174: {  	[tilespmem:s5], [sflag:$0x2] =	stream.indirect.gather [hbm4b:s3+s6], $0x20, s20, s6, $0xb8;
	[tilespmem:$0x14820] =	vst v63  }
0x175: {  	_ =	swait.ge [sflag:s12], $0x7D00  }
0x176: {  	[sflag:s12] =	ssyncset.done $0x0  }
0x177: {  	s26 =	rddreg [dreg:$0xb];
	[sflag:s12] =	ssyncadd.s32 $0xFFFF8300  }
0x178: {  	[hbm4b:s26+s2] =	stream.linear.scatter [tilespmem:s9], [sflag:$0x5], $0x7D00, $0x38;
	[tilespmem:$0x14820] =	vst v63  }
0x179: {  	_ =	swait.ge [sflag:s11], $0x7D00  }
0x17a: {  	[sflag:s11] =	ssyncset.done $0x0  }
0x17b: {  	[sflag:s11] =	ssyncadd.s32 $0xFFFF8300  }
0x17c: {  	[tilespmem:s5], [sflag:$0x4] =	stream.indirect.gather.add.f32 [hbm:s4], $0x20, s18, s6, $0xb8;
	[tilespmem:$0x14820] =	vst v63  }
0x17d: {  	_ =	swait.ge [sflag:s7], $0x7D00  }
0x17e: {  	[sflag:s7] =	ssyncset.done $0x0  }
0x17f: {  	[sflag:s7] =	ssyncadd.s32 $0xFFFF8300  }
0x180: {  	[tilespmem:s9], [sflag:$0x1] =	stream.indirect.gather [hbm4b:s3+s6], $0x20, s17, s6, $0xb8;
	[tilespmem:$0x14820] =	vst v63  }
0x181: {  	_ =	swait.ge [sflag:s10], $0x7D00  }
0x182: {  	[sflag:s10] =	ssyncset.done $0x0  }
0x183: {  	s28 =	rddreg [dreg:$0xc];
	[sflag:s10] =	ssyncadd.s32 $0xFFFF8300  }
0x184: {  	[hbm4b:s28+s2] =	stream.linear.scatter [tilespmem:s5], [sflag:$0x6], $0x7D00, $0x38;
	[tilespmem:$0x14820] =	vst v63  }
0x185: {  	_ =	swait.ge [sflag:s13], $0x7D00  }
0x186: {  	[sflag:s13] =	ssyncset.done $0x0  }
0x187: {  	[sflag:s13] =	ssyncadd.s32 $0xFFFF8300  }
0x188: {  	[tilespmem:s9], [sflag:$0x3] =	stream.indirect.gather.add.f32 [hbm:s4], $0x20, s16, s6, $0xb8;
	[tilespmem:$0x14820] =	vst v63  }
0x189: {  	_ =	swait.ge [sflag:s8], $0x7D00  }
0x18a: {  	[sflag:s8] =	ssyncset.done $0x0  }
0x18b: {  	[sflag:s8] =	ssyncadd.s32 $0xFFFF8300  }
0x18c: {  	[tilespmem:s5], [sflag:$0x2] =	stream.indirect.gather [hbm4b:s3+s6], $0x20, s15, s6, $0xb8;
	[tilespmem:$0x14820] =	vst v63  }
0x18d: {  	_ =	swait.ge [sflag:s12], $0x7D00  }
0x18e: {  	[sflag:s12] =	ssyncset.done $0x0  }
0x18f: {  	s29 =	rddreg [dreg:$0xd];
	[sflag:s12] =	ssyncadd.s32 $0xFFFF8300  }
0x190: {  	[hbm4b:s29+s2] =	stream.linear.scatter [tilespmem:s9], [sflag:$0x5], $0x7D00, $0x38;
	[tilespmem:$0x14820] =	vst v63  }
0x191: {  	_ =	swait.ge [sflag:s11], $0x7D00  }
0x192: {  	[sflag:s11] =	ssyncset.done $0x0  }
0x193: {  	[sflag:s11] =	ssyncadd.s32 $0xFFFF8300  }
0x194: {  	[tilespmem:s5], [sflag:$0x4] =	stream.indirect.gather.add.f32 [hbm:s4], $0x20, s14, s6, $0xb8;
	[tilespmem:$0x14820] =	vst v63  }
0x195: {  	_ =	swait.ge [sflag:s10], $0x7D00  }
0x196: {  	[sflag:s10] =	ssyncset.done $0x0  }
0x197: {  	s30 =	rddreg [dreg:$0xe];
	[sflag:s10] =	ssyncadd.s32 $0xFFFF8300  }
0x198: {  	[hbm4b:s30+s2] =	stream.linear.scatter [tilespmem:s5], [sflag:$0x6], $0x7D00, $0x38;
	[tilespmem:$0x14820] =	vst v63  }
0x199: {  	_ =	swait.ge [sflag:s7], $0x7D00  }
0x19a: {  	[sflag:s7] =	ssyncset.done $0x0  }
0x19b: {  	[sflag:s7] =	ssyncadd.s32 $0xFFFF8300  }
0x19c: {  	_ =	swait.ge [sflag:s8], $0x7D00  }
0x19d: {  	[sflag:s8] =	ssyncset.done $0x0  }
0x19e: {  	[sflag:s8] =	ssyncadd.s32 $0xFFFF8300  }
0x19f: {  	_ =	sfence.sel $0x180000  }
0x1a0: {  	[bflag:$0x0] =	sbarrier.arrive $0xFFFF  }
0x1a1: {  	_ =	strace $0x90000047  }
0x1a2: {  	s31 =	stileid.u32;
	[bflag:$0x2] =	sbarrier.arrive $0xFFFF  }
0x1a3: {  	p0 =	sne.s32 s31, $0x0;
	s0 =	rddreg [dreg:$0x2]  }
0x1a4: {  	s0 =	sadd.s32 @!p0 $0x100000, s0  }
0x1a5: {  	[sflag:s0] =	ssyncadd.tile.s32 @!p0 $0x1;
	_ =	shalt  }
.Lfunc_end2:
_tile_overlayer_lowered:
.L_overlay_start_2:
0x1a6: {  	(tag) =	ssettag $0x2  }
0x1a7: {  	s0 =	rddreg [dreg:$0x0];
	s2 =	stileid.u32  }
0x1a8: {  	s1 =	rddreg [dreg:$0x1];
	p0 =	sne.s32 s2, $0x0  }
0x1a9: {  	s3 =	rddreg [dreg:$0x2];
	[bflag:$0x3] =	sbarrier.arrive $0xFFFF;
	s2 =	simm.s32 @!p0 $0x1C07  }
0x1aa: {  	[timem:s3], [sflag:s2] =	dma.local @!p0 [hbm:s0], s1  }
0x1ab: {  	s0 =	simm.s32 @!p0 $0x7  }
0x1ac: {  	_ =	swait.ge @!p0 [sflag:s0], s1  }
0x1ad: {  	s1 =	ssub.s32 @!p0 $0x0, s1;
	[sflag:s0] =	ssyncset.done @!p0 $0x0  }
0x1ae: {  	[sflag:s0] =	ssyncadd.s32 @!p0 s1  }
0x1af: {  	[bflag:$0x3] =	sbarrier.arrive $0xFFFF  }
0x1b0: {  	_ =	shalt  }

</sc_bundles>
